<compile_context>
chip_gen: v7x
topology: tpu7x:2x2x1
jax: 0.10.2.dev20260603
libtpu: 0.0.44.dev20260713+nightly
codegen_flags: <defaults>
</compile_context>

<pallas_src>
import functools

import jax
import jax.numpy as jnp
from jax import lax
from jax.experimental import pallas as pl
from jax.experimental.pallas import tpu as pltpu
from jax.experimental.pallas import tpu_sc as plsc

B, C, N, V, T = 8, 1024, 16384, 4, 512
NSAMP, NH = 256, 8
K = NSAMP // V
HD = C // NH
S = NSAMP + T
NCH = 2048
NJ = N // NCH


NR = B * V
CH = 8
CL = N // CH
T0 = 24
BIG = N


def _topk_body(pw_ref, idx_ref, vw_ref):
    vw_ref[...] = pw_ref[...].reshape(NR, CH, CL)
    nio = (jax.lax.broadcasted_iota(jnp.int32, (NR, CH, CL), 2)
           + jax.lax.broadcasted_iota(jnp.int32, (NR, CH, CL), 1) * CL)
    tio = jax.lax.broadcasted_iota(jnp.int32, (NR, CH, T0), 2)

    def extract(t, carry):
        cval, cidx = carry
        cur = vw_ref[...]
        mx = jnp.max(cur, axis=2, keepdims=True)
        am = jnp.min(jnp.where(cur == mx, nio, BIG), axis=2, keepdims=True)
        vw_ref[...] = jnp.where(nio == am, jnp.float32(-1.0), cur)
        sel = tio == t
        return jnp.where(sel, mx, cval), jnp.where(sel, am, cidx)

    cval0 = jnp.full((NR, CH, T0), -1.0, jnp.float32)
    cidx0 = jnp.full((NR, CH, T0), BIG, jnp.int32)
    cval, cidx = jax.lax.fori_loop(0, T0, extract, (cval0, cidx0))

    kio = jax.lax.broadcasted_iota(jnp.int32, (NR, K), 1)

    def merge(t, carry):
        cv, ci, acc, used = carry
        mx = jnp.max(jnp.max(cv, axis=2, keepdims=True), axis=1, keepdims=True)
        am = jnp.min(jnp.min(jnp.where(cv == mx, ci, BIG), axis=2,
                             keepdims=True), axis=1, keepdims=True)
        hit = ci == am
        cv = jnp.where(hit, jnp.float32(-1.0), cv)
        used = used + hit.astype(jnp.int32)
        return cv, ci, jnp.where(kio == t, am[:, 0, :], acc), used

    acc0 = jnp.zeros((NR, K), jnp.int32)
    used0 = jnp.zeros((NR, CH, T0), jnp.int32)
    cval, cidx, acc, used = jax.lax.fori_loop(
        0, K, merge, (cval, cidx, acc0, used0))
    idx_ref[...] = acc.reshape(B, V, K)

    bad = jnp.max(jnp.max(jnp.sum(used, axis=2), axis=1), axis=0) >= T0

    @pl.when(bad)
    def _():
        vw_ref[...] = pw_ref[...].reshape(NR, CH, CL)

        def full(t, acc):
            cur = vw_ref[...]
            mx = jnp.max(jnp.max(cur, axis=2, keepdims=True), axis=1,
                         keepdims=True)
            am = jnp.min(jnp.min(jnp.where(cur == mx, nio, BIG), axis=2,
                                 keepdims=True), axis=1, keepdims=True)
            vw_ref[...] = jnp.where(nio == am, jnp.float32(-1.0), cur)
            return jnp.where(kio == t, am[:, 0, :], acc)

        idx_ref[...] = jax.lax.fori_loop(
            0, K, full, jnp.zeros((NR, K), jnp.int32)).reshape(B, V, K)


NW_SC = 32
GW = 128
INNER = 16
OUTER = (B * NSAMP * C) // (NW_SC * INNER * GW)


def _sc_gather(table, addr):
    mesh = plsc.VectorSubcoreMesh(core_axis_name="c", subcore_axis_name="s")

    @functools.partial(
        pl.kernel, mesh=mesh,
        out_type=jax.ShapeDtypeStruct((NW_SC, OUTER, INNER, GW), jnp.float32),
        scratch_types=[pltpu.VMEM((INNER, GW), jnp.int32),
                       pltpu.VMEM((INNER, GW), jnp.float32),
                       pltpu.SemaphoreType.DMA],
    )
    def run(table_hbm, addr_hbm, out_hbm, idx_v, val_v, sem):
        w = lax.axis_index("s") * 2 + lax.axis_index("c")

        def round_(g, carry):
            pltpu.sync_copy(addr_hbm.at[w, g], idx_v)
            handles = [
                pltpu.async_copy(table_hbm.at[idx_v.at[j]], val_v.at[j], sem)
                for j in range(INNER)]
            for h in handles:
                h.wait()
            pltpu.sync_copy(val_v, out_hbm.at[w, g])
            return carry

        lax.fori_loop(0, OUTER, round_, 0)

    return run(table, addr)


def _gather_body(idx_ref, pf_ref, out_ref):
    j = pl.program_id(1)
    idxc = idx_ref[0]
    ni = jax.lax.broadcasted_iota(jnp.int32, (NSAMP, NCH), 1) + j * NCH
    oh = (ni == idxc).astype(jnp.bfloat16)
    pfb = pf_ref[0].astype(jnp.bfloat16)
    part = jax.lax.dot_general(oh, pfb, (((1,), (1,)), ((), ())),
                               preferred_element_type=jnp.float32)

    @pl.when(j == 0)
    def _():
        out_ref[0] = part

    @pl.when(j > 0)
    def _():
        out_ref[0] += part


def _qkv_body(x_ref, w_ref, b_ref, out_ref):
    acc = jax.lax.dot_general(x_ref[0], w_ref[...], (((1,), (1,)), ((), ())),
                              preferred_element_type=jnp.float32)
    out_ref[0] = (acc + b_ref[...]).astype(jnp.bfloat16)


def _attn_body(q_ref, k_ref, v_ref, bias_ref, wo_ref, bo_ref, out_ref, oacc_ref):
    h = pl.program_id(1)
    s = jax.lax.dot_general(q_ref[0], k_ref[0], (((1,), (1,)), ((), ())),
                            preferred_element_type=jnp.float32)
    s = s * jnp.float32(1.0 / 128 ** 0.5) + bias_ref[0]
    e = jnp.exp(s)
    r = 1.0 / jnp.sum(e, axis=1, keepdims=True)
    o = jax.lax.dot_general(e.astype(jnp.bfloat16), v_ref[0],
                            (((1,), (0,)), ((), ())),
                            preferred_element_type=jnp.float32)
    oacc_ref[:, pl.ds(h * HD, HD)] = (o * r).astype(jnp.bfloat16)

    @pl.when(h == NH - 1)
    def _():
        out_ref[0] = jax.lax.dot_general(
            oacc_ref[...], wo_ref[...], (((1,), (1,)), ((), ())),
            preferred_element_type=jnp.float32) + bo_ref[...]


def kernel(point_features, point_masks, t_feat, t_mask, xyz, W_in, b_in, W_out, b_out):
    xyz_t = xyz.transpose(0, 2, 1)
    masked_xyz = xyz_t[:, None, :, :] * point_masks[..., None]
    valid = jnp.clip(point_masks.sum(axis=-1, keepdims=True), 1.0, None)
    center = masked_xyz.sum(axis=-2) / valid
    d2 = ((xyz_t[:, :, None, :] - center[:, None, :, :]) ** 2).sum(-1)
    dist = jnp.sqrt(jnp.clip(d2, 1e-12, None)).transpose(0, 2, 1)
    prob = jnp.exp(-dist)
    voting_ratio = valid.squeeze(-1) / N
    vote_weight = jnp.einsum('bi,bij->bj', voting_ratio, point_masks)
    vote_weight = vote_weight[:, None, :] * prob
    point_weight = jax.nn.softmax(vote_weight, axis=-1)

    idx = pl.pallas_call(
        _topk_body,
        in_specs=[pl.BlockSpec((B, V, CH, CL), lambda: (0, 0, 0, 0))],
        out_specs=pl.BlockSpec((B, V, K), lambda: (0, 0, 0)),
        out_shape=jax.ShapeDtypeStruct((B, V, K), jnp.int32),
        scratch_shapes=[pltpu.VMEM((NR, CH, CL), jnp.float32)],
    )(point_weight.reshape(B, V, CH, CL))

    addr = ((jnp.arange(B, dtype=jnp.int32)[:, None, None] * C
             + jnp.arange(C, dtype=jnp.int32)[None, None, :]) * N
            + idx.reshape(B, NSAMP)[:, :, None])
    sampled = _sc_gather(
        point_features.reshape(B * C * N),
        addr.reshape(NW_SC, OUTER, INNER, GW)).reshape(B, NSAMP, C)

    combined = jnp.concatenate([sampled, t_feat], axis=1).astype(jnp.bfloat16)

    qkv = pl.pallas_call(
        _qkv_body,
        grid=(B, 4),
        in_specs=[pl.BlockSpec((1, S, C), lambda b, j: (b, 0, 0)),
                  pl.BlockSpec((S, C), lambda b, j: (j, 0)),
                  pl.BlockSpec((1, S), lambda b, j: (0, j))],
        out_specs=pl.BlockSpec((1, S, S), lambda b, j: (b, 0, j)),
        out_shape=jax.ShapeDtypeStruct((B, S, 3 * C), jnp.bfloat16),
        compiler_params=pltpu.CompilerParams(
            dimension_semantics=("parallel", "arbitrary")),
    )(combined, W_in.astype(jnp.bfloat16), b_in.reshape(1, 3 * C))

    biasf = jnp.concatenate(
        [jnp.zeros((B, NSAMP), jnp.float32),
         jnp.where(t_mask, jnp.float32(0), jnp.float32(-1e9))],
        axis=1).reshape(B, 1, S)

    out = pl.pallas_call(
        _attn_body,
        grid=(B, NH),
        in_specs=[pl.BlockSpec((1, S, HD), lambda b, h: (b, 0, h)),
                  pl.BlockSpec((1, S, HD), lambda b, h: (b, 0, NH + h)),
                  pl.BlockSpec((1, S, HD), lambda b, h: (b, 0, 2 * NH + h)),
                  pl.BlockSpec((1, 1, S), lambda b, h: (b, 0, 0)),
                  pl.BlockSpec((C, C), lambda b, h: (0, 0)),
                  pl.BlockSpec((1, C), lambda b, h: (0, 0))],
        out_specs=pl.BlockSpec((1, S, C), lambda b, h: (b, 0, 0)),
        out_shape=jax.ShapeDtypeStruct((B, S, C), jnp.float32),
        scratch_shapes=[pltpu.VMEM((S, C), jnp.bfloat16)],
        compiler_params=pltpu.CompilerParams(
            dimension_semantics=("parallel", "arbitrary")),
    )(qkv, qkv, qkv, biasf, W_out.astype(jnp.bfloat16), b_out.reshape(1, C))

    combined_mask = jnp.concatenate(
        [jnp.ones((B, NSAMP), dtype=jnp.bool_), t_mask], axis=1)
    return out, combined_mask

# --- scband reference (transcript-rebuilt; emitter-appended) ---
"""Pipeline reference for scband-cross-distance-sampler-3496103378977 (READ-ONLY COPY).

The authoritative reference and input builder live on the scoring server;
editing this copy changes nothing except your own understanding.
"""

import jax, jax.numpy as jnp
import numpy as np

B, C, N, V, T = 8, 1024, 16384, 4, 512
N_SAMPLE, NUM_HEADS = 256, 8


def setup_inputs(seed: int = 0) -> dict:
    key = jax.random.key(seed)
    ks = jax.random.split(key, 8)
    point_features = jax.random.normal(ks[0], (B, C, N), dtype=jnp.float32)
    point_masks = (jax.random.uniform(ks[1], (B, V, N)) < 0.5).astype(jnp.float32)
    t_feat = jax.random.normal(ks[2], (B, T, C), dtype=jnp.float32)
    t_mask = jax.random.randint(ks[3], (B, T), 0, 2).astype(jnp.bool_)
    xyz = jax.random.normal(ks[4], (B, 3, N), dtype=jnp.float32)
    s = 1.0 / np.sqrt(C)
    W_in = jax.random.normal(ks[5], (3 * C, C), dtype=jnp.float32) * s
    b_in = jnp.zeros((3 * C,), dtype=jnp.float32)
    W_out = jax.random.normal(ks[6], (C, C), dtype=jnp.float32) * s
    b_out = jnp.zeros((C,), dtype=jnp.float32)
    return {"point_features": point_features, "point_masks": point_masks, "t_feat": t_feat,
            "t_mask": t_mask, "xyz": xyz, "W_in": W_in, "b_in": b_in, "W_out": W_out, "b_out": b_out}


def _mha(x, key_padding_mask, W_in, b_in, W_out, b_out, num_heads):
    b, s, e = x.shape
    hd = e // num_heads
    qkv = x @ W_in.T + b_in
    q, k, v = jnp.split(qkv, 3, axis=-1)
    def heads(t):
        return t.reshape(b, s, num_heads, hd).transpose(0, 2, 1, 3)
    q, k, v = heads(q), heads(k), heads(v)
    scores = jnp.einsum('bhqd,bhkd->bhqk', q, k) / jnp.sqrt(jnp.float32(hd))
    # key_padding_mask: True = valid key, False = masked out
    scores = jnp.where(key_padding_mask[:, None, None, :], scores, jnp.float32(-1e9))
    attn = jax.nn.softmax(scores, axis=-1)
    out = jnp.einsum('bhqk,bhkd->bhqd', attn, v)
    out = out.transpose(0, 2, 1, 3).reshape(b, s, e)
    return out @ W_out.T + b_out


def reference(point_features, point_masks, t_feat, t_mask, xyz, W_in, b_in, W_out, b_out):
    b, c, n = point_features.shape
    v = point_masks.shape[1]
    pf = point_features.transpose(0, 2, 1)          # [B, N, C]
    xyz_t = xyz.transpose(0, 2, 1)                  # [B, N, 3]
    masked_xyz = xyz_t[:, None, :, :] * point_masks[..., None]   # [B, V, N, 3]
    valid = jnp.clip(point_masks.sum(axis=-1, keepdims=True), 1.0, None)  # [B, V, 1]
    center = masked_xyz.sum(axis=-2) / valid        # [B, V, 3]
    d2 = ((xyz_t[:, :, None, :] - center[:, None, :, :]) ** 2).sum(-1)
    dist = jnp.sqrt(jnp.clip(d2, 1e-12, None))      # [B, N, V]
    dist = dist.transpose(0, 2, 1)                  # [B, V, N]
    prob = jnp.exp(-dist)
    nspv = N_SAMPLE // v
    voting_ratio = valid.squeeze(-1) / n            # [B, V]
    vote_weight = jnp.einsum('bi,bij->bj', voting_ratio, point_masks)  # [B, N]
    vote_weight = vote_weight[:, None, :] * prob    # [B, V, N]
    point_weight = jax.nn.softmax(vote_weight, axis=-1)
    _, idx = jax.lax.top_k(point_weight, nspv)      # [B, V, nspv]  (eval-mode path)
    idx = idx.reshape(b, -1)                        # [B, n_sample]
    sampled = jnp.take_along_axis(pf, idx[..., None], axis=1)  # [B, n_sample, C]
    combined = jnp.concatenate([sampled, t_feat], axis=1)      # [B, S, C]
    combined_mask = jnp.concatenate([jnp.ones((b, N_SAMPLE), dtype=jnp.bool_), t_mask], axis=1)
    out = _mha(combined, combined_mask, W_in, b_in, W_out, b_out, NUM_HEADS)
    return out, combined_mask

if __name__ == "__main__":
    import jax
    _d = setup_inputs()
    print(jax.jit(kernel)(*tuple(_d.values())))

</pallas_src>

<mosaic_0001>
#map = affine_map<(d0, d1) -> (0)>
#map1 = affine_map<(d0, d1) -> (0, 0, 0, 0)>
module attributes {stable_mosaic.version = 14 : i64} {
  func.func @run(%arg0: i32, %arg1: i32, %arg2: memref<134217728xf32, #tpu.memory_space<hbm>>, %arg3: memref<32x32x16x128xi32, #tpu.memory_space<hbm>>, %arg4: memref<32x32x16x128xf32, #tpu.memory_space<hbm>>, %arg5: memref<16x128xi32, #tpu.memory_space<vmem>>, %arg6: memref<16x128xf32, #tpu.memory_space<vmem>>, %arg7: memref<!tpu.dma_semaphore, #tpu.memory_space<semaphore_mem>>) attributes {dimension_semantics = [#tpu.dimension_semantics<core_parallel>, #tpu.dimension_semantics<subcore_parallel>], iteration_bounds = array<i64: 2, 16>, scalar_prefetch = 0 : i64, scratch_operands = 3 : i64, tpu.core_type = #tpu.core_type<sc_vector_subcore>, window_params = [{transform_indices = #map}, {transform_indices = #map1}, {transform_indices = #map1}]} {
    %mul3A = arith.constant 2 : i32
    %mul3A_0 = arith.muli %arg1, %mul3A : i32
    %add3A = arith.addi %mul3A_0, %arg0 : i32
    %scan3A = arith.constant 0 : i32
    %scan3A_1 = arith.constant 0 : i32
    %scan3A_2 = arith.constant 32 : i32
    %scan3A_3 = arith.addi %scan3A_1, %scan3A_2 : i32
    %scan3A_4 = arith.constant 1 : i32
    scf.for %scan3A_6 = %scan3A_1 to %scan3A_3 step %scan3A_4  : i32 {
      "tpu.region"() ({
        %run_scoped3A = tpu.sem_alloc : memref<!tpu.dma_semaphore, #tpu.memory_space<semaphore_mem>>
        %dma_start3A_325 = arith.constant 0 : i32
        %dma_start3A_326 = arith.constant 0 : i32
        %dma_start3A_327 = tpu.memref_slice %arg3[%add3A, %scan3A_6, %dma_start3A_325, %dma_start3A_326] : memref<32x32x16x128xi32, #tpu.memory_space<hbm>> -> memref<1x1x16x128xi32, #tpu.memory_space<hbm>>
        %dma_start3A_328 = tpu.memref_squeeze %dma_start3A_327 : memref<1x1x16x128xi32, #tpu.memory_space<hbm>> -> memref<16x128xi32, #tpu.memory_space<hbm>>
        %dma_start3A_329 = arith.constant 0 : i32
        %dma_start3A_330 = arith.constant 0 : i32
        %dma_start3A_331 = tpu.memref_slice %arg3[%add3A, %scan3A_6, %dma_start3A_329, %dma_start3A_330] : memref<32x32x16x128xi32, #tpu.memory_space<hbm>> -> memref<1x1x16x128xi32, #tpu.memory_space<hbm>>
        %dma_start3A_332 = tpu.memref_squeeze %dma_start3A_331 : memref<1x1x16x128xi32, #tpu.memory_space<hbm>> -> memref<16x128xi32, #tpu.memory_space<hbm>>
        tpu.enqueue_dma source(%dma_start3A_332 : memref<16x128xi32, #tpu.memory_space<hbm>>) target(%arg5 : memref<16x128xi32, #tpu.memory_space<vmem>>) target_semaphore(%run_scoped3A : memref<!tpu.dma_semaphore, #tpu.memory_space<semaphore_mem>>)
        %dma_wait3A_333 = arith.constant 0 : i32
        %dma_wait3A_334 = arith.constant 0 : i32
        %dma_wait3A_335 = tpu.memref_slice %arg3[%add3A, %scan3A_6, %dma_wait3A_333, %dma_wait3A_334] : memref<32x32x16x128xi32, #tpu.memory_space<hbm>> -> memref<1x1x16x128xi32, #tpu.memory_space<hbm>>
        %dma_wait3A_336 = tpu.memref_squeeze %dma_wait3A_335 : memref<1x1x16x128xi32, #tpu.memory_space<hbm>> -> memref<16x128xi32, #tpu.memory_space<hbm>>
        %dma_wait3A_337 = arith.constant 0 : i32
        %dma_wait3A_338 = arith.constant 0 : i32
        %dma_wait3A_339 = tpu.memref_slice %arg3[%add3A, %scan3A_6, %dma_wait3A_337, %dma_wait3A_338] : memref<32x32x16x128xi32, #tpu.memory_space<hbm>> -> memref<1x1x16x128xi32, #tpu.memory_space<hbm>>
        %dma_wait3A_340 = tpu.memref_squeeze %dma_wait3A_339 : memref<1x1x16x128xi32, #tpu.memory_space<hbm>> -> memref<16x128xi32, #tpu.memory_space<hbm>>
        tpu.wait_dma2 semaphore(%run_scoped3A : memref<!tpu.dma_semaphore, #tpu.memory_space<semaphore_mem>>) src(%dma_wait3A_340 : memref<16x128xi32, #tpu.memory_space<hbm>>) dst(%arg5 : memref<16x128xi32, #tpu.memory_space<vmem>>)
        tpu.yield
      }) : () -> ()
      %dma_start3A = arith.constant 0 : i32
      %dma_start3A_7 = arith.constant 0 : i32
      %dma_start3A_8 = arith.constant 0 : i32
      %dma_start3A_9 = tpu.memref_slice %arg6[%dma_start3A_7, %dma_start3A_8] : memref<16x128xf32, #tpu.memory_space<vmem>> -> memref<1x128xf32, #tpu.memory_space<vmem>>
      %dma_start3A_10 = tpu.memref_squeeze %dma_start3A_9 : memref<1x128xf32, #tpu.memory_space<vmem>> -> memref<128xf32, #tpu.memory_space<vmem>>
      %dma_start3A_11 = arith.constant 0 : i32
      %dma_start3A_12 = tpu.memref_slice %arg5[%dma_start3A, %dma_start3A_11] : memref<16x128xi32, #tpu.memory_space<vmem>> -> memref<1x128xi32, #tpu.memory_space<vmem>>
      %dma_start3A_13 = tpu.memref_squeeze %dma_start3A_12 : memref<1x128xi32, #tpu.memory_space<vmem>> -> memref<128xi32, #tpu.memory_space<vmem>>
      %dma_start3A_14 = arith.constant 0 : i32
      %dma_start3A_15 = tpu.memref_slice %arg2[%dma_start3A_14] : memref<134217728xf32, #tpu.memory_space<hbm>> -> memref<134217728xf32, #tpu.memory_space<hbm>>
      tpu.enqueue_indirect_dma source(%dma_start3A_15 : memref<134217728xf32, #tpu.memory_space<hbm>>) target(%dma_start3A_10 : memref<128xf32, #tpu.memory_space<vmem>>) offsets(%dma_start3A_13 : memref<128xi32, #tpu.memory_space<vmem>>) semaphore(%arg7 : memref<!tpu.dma_semaphore, #tpu.memory_space<semaphore_mem>>)
      %dma_start3A_16 = arith.constant 1 : i32
      %dma_start3A_17 = arith.constant 1 : i32
      %dma_start3A_18 = arith.constant 0 : i32
      %dma_start3A_19 = tpu.memref_slice %arg6[%dma_start3A_17, %dma_start3A_18] : memref<16x128xf32, #tpu.memory_space<vmem>> -> memref<1x128xf32, #tpu.memory_space<vmem>>
      %dma_start3A_20 = tpu.memref_squeeze %dma_start3A_19 : memref<1x128xf32, #tpu.memory_space<vmem>> -> memref<128xf32, #tpu.memory_space<vmem>>
      %dma_start3A_21 = arith.constant 0 : i32
      %dma_start3A_22 = tpu.memref_slice %arg5[%dma_start3A_16, %dma_start3A_21] : memref<16x128xi32, #tpu.memory_space<vmem>> -> memref<1x128xi32, #tpu.memory_space<vmem>>
      %dma_start3A_23 = tpu.memref_squeeze %dma_start3A_22 : memref<1x128xi32, #tpu.memory_space<vmem>> -> memref<128xi32, #tpu.memory_space<vmem>>
      %dma_start3A_24 = arith.constant 0 : i32
      %dma_start3A_25 = tpu.memref_slice %arg2[%dma_start3A_24] : memref<134217728xf32, #tpu.memory_space<hbm>> -> memref<134217728xf32, #tpu.memory_space<hbm>>
      tpu.enqueue_indirect_dma source(%dma_start3A_25 : memref<134217728xf32, #tpu.memory_space<hbm>>) target(%dma_start3A_20 : memref<128xf32, #tpu.memory_space<vmem>>) offsets(%dma_start3A_23 : memref<128xi32, #tpu.memory_space<vmem>>) semaphore(%arg7 : memref<!tpu.dma_semaphore, #tpu.memory_space<semaphore_mem>>)
      %dma_start3A_26 = arith.constant 2 : i32
      %dma_start3A_27 = arith.constant 2 : i32
      %dma_start3A_28 = arith.constant 0 : i32
      %dma_start3A_29 = tpu.memref_slice %arg6[%dma_start3A_27, %dma_start3A_28] : memref<16x128xf32, #tpu.memory_space<vmem>> -> memref<1x128xf32, #tpu.memory_space<vmem>>
      %dma_start3A_30 = tpu.memref_squeeze %dma_start3A_29 : memref<1x128xf32, #tpu.memory_space<vmem>> -> memref<128xf32, #tpu.memory_space<vmem>>
      %dma_start3A_31 = arith.constant 0 : i32
      %dma_start3A_32 = tpu.memref_slice %arg5[%dma_start3A_26, %dma_start3A_31] : memref<16x128xi32, #tpu.memory_space<vmem>> -> memref<1x128xi32, #tpu.memory_space<vmem>>
      %dma_start3A_33 = tpu.memref_squeeze %dma_start3A_32 : memref<1x128xi32, #tpu.memory_space<vmem>> -> memref<128xi32, #tpu.memory_space<vmem>>
      %dma_start3A_34 = arith.constant 0 : i32
      %dma_start3A_35 = tpu.memref_slice %arg2[%dma_start3A_34] : memref<134217728xf32, #tpu.memory_space<hbm>> -> memref<134217728xf32, #tpu.memory_space<hbm>>
      tpu.enqueue_indirect_dma source(%dma_start3A_35 : memref<134217728xf32, #tpu.memory_space<hbm>>) target(%dma_start3A_30 : memref<128xf32, #tpu.memory_space<vmem>>) offsets(%dma_start3A_33 : memref<128xi32, #tpu.memory_space<vmem>>) semaphore(%arg7 : memref<!tpu.dma_semaphore, #tpu.memory_space<semaphore_mem>>)
      %dma_start3A_36 = arith.constant 3 : i32
      %dma_start3A_37 = arith.constant 3 : i32
      %dma_start3A_38 = arith.constant 0 : i32
      %dma_start3A_39 = tpu.memref_slice %arg6[%dma_start3A_37, %dma_start3A_38] : memref<16x128xf32, #tpu.memory_space<vmem>> -> memref<1x128xf32, #tpu.memory_space<vmem>>
      %dma_start3A_40 = tpu.memref_squeeze %dma_start3A_39 : memref<1x128xf32, #tpu.memory_space<vmem>> -> memref<128xf32, #tpu.memory_space<vmem>>
      %dma_start3A_41 = arith.constant 0 : i32
      %dma_start3A_42 = tpu.memref_slice %arg5[%dma_start3A_36, %dma_start3A_41] : memref<16x128xi32, #tpu.memory_space<vmem>> -> memref<1x128xi32, #tpu.memory_space<vmem>>
      %dma_start3A_43 = tpu.memref_squeeze %dma_start3A_42 : memref<1x128xi32, #tpu.memory_space<vmem>> -> memref<128xi32, #tpu.memory_space<vmem>>
      %dma_start3A_44 = arith.constant 0 : i32
      %dma_start3A_45 = tpu.memref_slice %arg2[%dma_start3A_44] : memref<134217728xf32, #tpu.memory_space<hbm>> -> memref<134217728xf32, #tpu.memory_space<hbm>>
      tpu.enqueue_indirect_dma source(%dma_start3A_45 : memref<134217728xf32, #tpu.memory_space<hbm>>) target(%dma_start3A_40 : memref<128xf32, #tpu.memory_space<vmem>>) offsets(%dma_start3A_43 : memref<128xi32, #tpu.memory_space<vmem>>) semaphore(%arg7 : memref<!tpu.dma_semaphore, #tpu.memory_space<semaphore_mem>>)
      %dma_start3A_46 = arith.constant 4 : i32
      %dma_start3A_47 = arith.constant 4 : i32
      %dma_start3A_48 = arith.constant 0 : i32
      %dma_start3A_49 = tpu.memref_slice %arg6[%dma_start3A_47, %dma_start3A_48] : memref<16x128xf32, #tpu.memory_space<vmem>> -> memref<1x128xf32, #tpu.memory_space<vmem>>
      %dma_start3A_50 = tpu.memref_squeeze %dma_start3A_49 : memref<1x128xf32, #tpu.memory_space<vmem>> -> memref<128xf32, #tpu.memory_space<vmem>>
      %dma_start3A_51 = arith.constant 0 : i32
      %dma_start3A_52 = tpu.memref_slice %arg5[%dma_start3A_46, %dma_start3A_51] : memref<16x128xi32, #tpu.memory_space<vmem>> -> memref<1x128xi32, #tpu.memory_space<vmem>>
      %dma_start3A_53 = tpu.memref_squeeze %dma_start3A_52 : memref<1x128xi32, #tpu.memory_space<vmem>> -> memref<128xi32, #tpu.memory_space<vmem>>
      %dma_start3A_54 = arith.constant 0 : i32
      %dma_start3A_55 = tpu.memref_slice %arg2[%dma_start3A_54] : memref<134217728xf32, #tpu.memory_space<hbm>> -> memref<134217728xf32, #tpu.memory_space<hbm>>
      tpu.enqueue_indirect_dma source(%dma_start3A_55 : memref<134217728xf32, #tpu.memory_space<hbm>>) target(%dma_start3A_50 : memref<128xf32, #tpu.memory_space<vmem>>) offsets(%dma_start3A_53 : memref<128xi32, #tpu.memory_space<vmem>>) semaphore(%arg7 : memref<!tpu.dma_semaphore, #tpu.memory_space<semaphore_mem>>)
      %dma_start3A_56 = arith.constant 5 : i32
      %dma_start3A_57 = arith.constant 5 : i32
      %dma_start3A_58 = arith.constant 0 : i32
      %dma_start3A_59 = tpu.memref_slice %arg6[%dma_start3A_57, %dma_start3A_58] : memref<16x128xf32, #tpu.memory_space<vmem>> -> memref<1x128xf32, #tpu.memory_space<vmem>>
      %dma_start3A_60 = tpu.memref_squeeze %dma_start3A_59 : memref<1x128xf32, #tpu.memory_space<vmem>> -> memref<128xf32, #tpu.memory_space<vmem>>
      %dma_start3A_61 = arith.constant 0 : i32
      %dma_start3A_62 = tpu.memref_slice %arg5[%dma_start3A_56, %dma_start3A_61] : memref<16x128xi32, #tpu.memory_space<vmem>> -> memref<1x128xi32, #tpu.memory_space<vmem>>
      %dma_start3A_63 = tpu.memref_squeeze %dma_start3A_62 : memref<1x128xi32, #tpu.memory_space<vmem>> -> memref<128xi32, #tpu.memory_space<vmem>>
      %dma_start3A_64 = arith.constant 0 : i32
      %dma_start3A_65 = tpu.memref_slice %arg2[%dma_start3A_64] : memref<134217728xf32, #tpu.memory_space<hbm>> -> memref<134217728xf32, #tpu.memory_space<hbm>>
      tpu.enqueue_indirect_dma source(%dma_start3A_65 : memref<134217728xf32, #tpu.memory_space<hbm>>) target(%dma_start3A_60 : memref<128xf32, #tpu.memory_space<vmem>>) offsets(%dma_start3A_63 : memref<128xi32, #tpu.memory_space<vmem>>) semaphore(%arg7 : memref<!tpu.dma_semaphore, #tpu.memory_space<semaphore_mem>>)
      %dma_start3A_66 = arith.constant 6 : i32
      %dma_start3A_67 = arith.constant 6 : i32
      %dma_start3A_68 = arith.constant 0 : i32
      %dma_start3A_69 = tpu.memref_slice %arg6[%dma_start3A_67, %dma_start3A_68] : memref<16x128xf32, #tpu.memory_space<vmem>> -> memref<1x128xf32, #tpu.memory_space<vmem>>
      %dma_start3A_70 = tpu.memref_squeeze %dma_start3A_69 : memref<1x128xf32, #tpu.memory_space<vmem>> -> memref<128xf32, #tpu.memory_space<vmem>>
      %dma_start3A_71 = arith.constant 0 : i32
      %dma_start3A_72 = tpu.memref_slice %arg5[%dma_start3A_66, %dma_start3A_71] : memref<16x128xi32, #tpu.memory_space<vmem>> -> memref<1x128xi32, #tpu.memory_space<vmem>>
      %dma_start3A_73 = tpu.memref_squeeze %dma_start3A_72 : memref<1x128xi32, #tpu.memory_space<vmem>> -> memref<128xi32, #tpu.memory_space<vmem>>
      %dma_start3A_74 = arith.constant 0 : i32
      %dma_start3A_75 = tpu.memref_slice %arg2[%dma_start3A_74] : memref<134217728xf32, #tpu.memory_space<hbm>> -> memref<134217728xf32, #tpu.memory_space<hbm>>
      tpu.enqueue_indirect_dma source(%dma_start3A_75 : memref<134217728xf32, #tpu.memory_space<hbm>>) target(%dma_start3A_70 : memref<128xf32, #tpu.memory_space<vmem>>) offsets(%dma_start3A_73 : memref<128xi32, #tpu.memory_space<vmem>>) semaphore(%arg7 : memref<!tpu.dma_semaphore, #tpu.memory_space<semaphore_mem>>)
      %dma_start3A_76 = arith.constant 7 : i32
      %dma_start3A_77 = arith.constant 7 : i32
      %dma_start3A_78 = arith.constant 0 : i32
      %dma_start3A_79 = tpu.memref_slice %arg6[%dma_start3A_77, %dma_start3A_78] : memref<16x128xf32, #tpu.memory_space<vmem>> -> memref<1x128xf32, #tpu.memory_space<vmem>>
      %dma_start3A_80 = tpu.memref_squeeze %dma_start3A_79 : memref<1x128xf32, #tpu.memory_space<vmem>> -> memref<128xf32, #tpu.memory_space<vmem>>
      %dma_start3A_81 = arith.constant 0 : i32
      %dma_start3A_82 = tpu.memref_slice %arg5[%dma_start3A_76, %dma_start3A_81] : memref<16x128xi32, #tpu.memory_space<vmem>> -> memref<1x128xi32, #tpu.memory_space<vmem>>
      %dma_start3A_83 = tpu.memref_squeeze %dma_start3A_82 : memref<1x128xi32, #tpu.memory_space<vmem>> -> memref<128xi32, #tpu.memory_space<vmem>>
      %dma_start3A_84 = arith.constant 0 : i32
      %dma_start3A_85 = tpu.memref_slice %arg2[%dma_start3A_84] : memref<134217728xf32, #tpu.memory_space<hbm>> -> memref<134217728xf32, #tpu.memory_space<hbm>>
      tpu.enqueue_indirect_dma source(%dma_start3A_85 : memref<134217728xf32, #tpu.memory_space<hbm>>) target(%dma_start3A_80 : memref<128xf32, #tpu.memory_space<vmem>>) offsets(%dma_start3A_83 : memref<128xi32, #tpu.memory_space<vmem>>) semaphore(%arg7 : memref<!tpu.dma_semaphore, #tpu.memory_space<semaphore_mem>>)
      %dma_start3A_86 = arith.constant 8 : i32
      %dma_start3A_87 = arith.constant 8 : i32
      %dma_start3A_88 = arith.constant 0 : i32
      %dma_start3A_89 = tpu.memref_slice %arg6[%dma_start3A_87, %dma_start3A_88] : memref<16x128xf32, #tpu.memory_space<vmem>> -> memref<1x128xf32, #tpu.memory_space<vmem>>
      %dma_start3A_90 = tpu.memref_squeeze %dma_start3A_89 : memref<1x128xf32, #tpu.memory_space<vmem>> -> memref<128xf32, #tpu.memory_space<vmem>>
      %dma_start3A_91 = arith.constant 0 : i32
      %dma_start3A_92 = tpu.memref_slice %arg5[%dma_start3A_86, %dma_start3A_91] : memref<16x128xi32, #tpu.memory_space<vmem>> -> memref<1x128xi32, #tpu.memory_space<vmem>>
      %dma_start3A_93 = tpu.memref_squeeze %dma_start3A_92 : memref<1x128xi32, #tpu.memory_space<vmem>> -> memref<128xi32, #tpu.memory_space<vmem>>
      %dma_start3A_94 = arith.constant 0 : i32
      %dma_start3A_95 = tpu.memref_slice %arg2[%dma_start3A_94] : memref<134217728xf32, #tpu.memory_space<hbm>> -> memref<134217728xf32, #tpu.memory_space<hbm>>
      tpu.enqueue_indirect_dma source(%dma_start3A_95 : memref<134217728xf32, #tpu.memory_space<hbm>>) target(%dma_start3A_90 : memref<128xf32, #tpu.memory_space<vmem>>) offsets(%dma_start3A_93 : memref<128xi32, #tpu.memory_space<vmem>>) semaphore(%arg7 : memref<!tpu.dma_semaphore, #tpu.memory_space<semaphore_mem>>)
      %dma_start3A_96 = arith.constant 9 : i32
      %dma_start3A_97 = arith.constant 9 : i32
      %dma_start3A_98 = arith.constant 0 : i32
      %dma_start3A_99 = tpu.memref_slice %arg6[%dma_start3A_97, %dma_start3A_98] : memref<16x128xf32, #tpu.memory_space<vmem>> -> memref<1x128xf32, #tpu.memory_space<vmem>>
      %dma_start3A_100 = tpu.memref_squeeze %dma_start3A_99 : memref<1x128xf32, #tpu.memory_space<vmem>> -> memref<128xf32, #tpu.memory_space<vmem>>
      %dma_start3A_101 = arith.constant 0 : i32
      %dma_start3A_102 = tpu.memref_slice %arg5[%dma_start3A_96, %dma_start3A_101] : memref<16x128xi32, #tpu.memory_space<vmem>> -> memref<1x128xi32, #tpu.memory_space<vmem>>
      %dma_start3A_103 = tpu.memref_squeeze %dma_start3A_102 : memref<1x128xi32, #tpu.memory_space<vmem>> -> memref<128xi32, #tpu.memory_space<vmem>>
      %dma_start3A_104 = arith.constant 0 : i32
      %dma_start3A_105 = tpu.memref_slice %arg2[%dma_start3A_104] : memref<134217728xf32, #tpu.memory_space<hbm>> -> memref<134217728xf32, #tpu.memory_space<hbm>>
      tpu.enqueue_indirect_dma source(%dma_start3A_105 : memref<134217728xf32, #tpu.memory_space<hbm>>) target(%dma_start3A_100 : memref<128xf32, #tpu.memory_space<vmem>>) offsets(%dma_start3A_103 : memref<128xi32, #tpu.memory_space<vmem>>) semaphore(%arg7 : memref<!tpu.dma_semaphore, #tpu.memory_space<semaphore_mem>>)
      %dma_start3A_106 = arith.constant 10 : i32
      %dma_start3A_107 = arith.constant 10 : i32
      %dma_start3A_108 = arith.constant 0 : i32
      %dma_start3A_109 = tpu.memref_slice %arg6[%dma_start3A_107, %dma_start3A_108] : memref<16x128xf32, #tpu.memory_space<vmem>> -> memref<1x128xf32, #tpu.memory_space<vmem>>
      %dma_start3A_110 = tpu.memref_squeeze %dma_start3A_109 : memref<1x128xf32, #tpu.memory_space<vmem>> -> memref<128xf32, #tpu.memory_space<vmem>>
      %dma_start3A_111 = arith.constant 0 : i32
      %dma_start3A_112 = tpu.memref_slice %arg5[%dma_start3A_106, %dma_start3A_111] : memref<16x128xi32, #tpu.memory_space<vmem>> -> memref<1x128xi32, #tpu.memory_space<vmem>>
      %dma_start3A_113 = tpu.memref_squeeze %dma_start3A_112 : memref<1x128xi32, #tpu.memory_space<vmem>> -> memref<128xi32, #tpu.memory_space<vmem>>
      %dma_start3A_114 = arith.constant 0 : i32
      %dma_start3A_115 = tpu.memref_slice %arg2[%dma_start3A_114] : memref<134217728xf32, #tpu.memory_space<hbm>> -> memref<134217728xf32, #tpu.memory_space<hbm>>
      tpu.enqueue_indirect_dma source(%dma_start3A_115 : memref<134217728xf32, #tpu.memory_space<hbm>>) target(%dma_start3A_110 : memref<128xf32, #tpu.memory_space<vmem>>) offsets(%dma_start3A_113 : memref<128xi32, #tpu.memory_space<vmem>>) semaphore(%arg7 : memref<!tpu.dma_semaphore, #tpu.memory_space<semaphore_mem>>)
      %dma_start3A_116 = arith.constant 11 : i32
      %dma_start3A_117 = arith.constant 11 : i32
      %dma_start3A_118 = arith.constant 0 : i32
      %dma_start3A_119 = tpu.memref_slice %arg6[%dma_start3A_117, %dma_start3A_118] : memref<16x128xf32, #tpu.memory_space<vmem>> -> memref<1x128xf32, #tpu.memory_space<vmem>>
      %dma_start3A_120 = tpu.memref_squeeze %dma_start3A_119 : memref<1x128xf32, #tpu.memory_space<vmem>> -> memref<128xf32, #tpu.memory_space<vmem>>
      %dma_start3A_121 = arith.constant 0 : i32
      %dma_start3A_122 = tpu.memref_slice %arg5[%dma_start3A_116, %dma_start3A_121] : memref<16x128xi32, #tpu.memory_space<vmem>> -> memref<1x128xi32, #tpu.memory_space<vmem>>
      %dma_start3A_123 = tpu.memref_squeeze %dma_start3A_122 : memref<1x128xi32, #tpu.memory_space<vmem>> -> memref<128xi32, #tpu.memory_space<vmem>>
      %dma_start3A_124 = arith.constant 0 : i32
      %dma_start3A_125 = tpu.memref_slice %arg2[%dma_start3A_124] : memref<134217728xf32, #tpu.memory_space<hbm>> -> memref<134217728xf32, #tpu.memory_space<hbm>>
      tpu.enqueue_indirect_dma source(%dma_start3A_125 : memref<134217728xf32, #tpu.memory_space<hbm>>) target(%dma_start3A_120 : memref<128xf32, #tpu.memory_space<vmem>>) offsets(%dma_start3A_123 : memref<128xi32, #tpu.memory_space<vmem>>) semaphore(%arg7 : memref<!tpu.dma_semaphore, #tpu.memory_space<semaphore_mem>>)
      %dma_start3A_126 = arith.constant 12 : i32
      %dma_start3A_127 = arith.constant 12 : i32
      %dma_start3A_128 = arith.constant 0 : i32
      %dma_start3A_129 = tpu.memref_slice %arg6[%dma_start3A_127, %dma_start3A_128] : memref<16x128xf32, #tpu.memory_space<vmem>> -> memref<1x128xf32, #tpu.memory_space<vmem>>
      %dma_start3A_130 = tpu.memref_squeeze %dma_start3A_129 : memref<1x128xf32, #tpu.memory_space<vmem>> -> memref<128xf32, #tpu.memory_space<vmem>>
      %dma_start3A_131 = arith.constant 0 : i32
      %dma_start3A_132 = tpu.memref_slice %arg5[%dma_start3A_126, %dma_start3A_131] : memref<16x128xi32, #tpu.memory_space<vmem>> -> memref<1x128xi32, #tpu.memory_space<vmem>>
      %dma_start3A_133 = tpu.memref_squeeze %dma_start3A_132 : memref<1x128xi32, #tpu.memory_space<vmem>> -> memref<128xi32, #tpu.memory_space<vmem>>
      %dma_start3A_134 = arith.constant 0 : i32
      %dma_start3A_135 = tpu.memref_slice %arg2[%dma_start3A_134] : memref<134217728xf32, #tpu.memory_space<hbm>> -> memref<134217728xf32, #tpu.memory_space<hbm>>
      tpu.enqueue_indirect_dma source(%dma_start3A_135 : memref<134217728xf32, #tpu.memory_space<hbm>>) target(%dma_start3A_130 : memref<128xf32, #tpu.memory_space<vmem>>) offsets(%dma_start3A_133 : memref<128xi32, #tpu.memory_space<vmem>>) semaphore(%arg7 : memref<!tpu.dma_semaphore, #tpu.memory_space<semaphore_mem>>)
      %dma_start3A_136 = arith.constant 13 : i32
      %dma_start3A_137 = arith.constant 13 : i32
      %dma_start3A_138 = arith.constant 0 : i32
      %dma_start3A_139 = tpu.memref_slice %arg6[%dma_start3A_137, %dma_start3A_138] : memref<16x128xf32, #tpu.memory_space<vmem>> -> memref<1x128xf32, #tpu.memory_space<vmem>>
      %dma_start3A_140 = tpu.memref_squeeze %dma_start3A_139 : memref<1x128xf32, #tpu.memory_space<vmem>> -> memref<128xf32, #tpu.memory_space<vmem>>
      %dma_start3A_141 = arith.constant 0 : i32
      %dma_start3A_142 = tpu.memref_slice %arg5[%dma_start3A_136, %dma_start3A_141] : memref<16x128xi32, #tpu.memory_space<vmem>> -> memref<1x128xi32, #tpu.memory_space<vmem>>
      %dma_start3A_143 = tpu.memref_squeeze %dma_start3A_142 : memref<1x128xi32, #tpu.memory_space<vmem>> -> memref<128xi32, #tpu.memory_space<vmem>>
      %dma_start3A_144 = arith.constant 0 : i32
      %dma_start3A_145 = tpu.memref_slice %arg2[%dma_start3A_144] : memref<134217728xf32, #tpu.memory_space<hbm>> -> memref<134217728xf32, #tpu.memory_space<hbm>>
      tpu.enqueue_indirect_dma source(%dma_start3A_145 : memref<134217728xf32, #tpu.memory_space<hbm>>) target(%dma_start3A_140 : memref<128xf32, #tpu.memory_space<vmem>>) offsets(%dma_start3A_143 : memref<128xi32, #tpu.memory_space<vmem>>) semaphore(%arg7 : memref<!tpu.dma_semaphore, #tpu.memory_space<semaphore_mem>>)
      %dma_start3A_146 = arith.constant 14 : i32
      %dma_start3A_147 = arith.constant 14 : i32
      %dma_start3A_148 = arith.constant 0 : i32
      %dma_start3A_149 = tpu.memref_slice %arg6[%dma_start3A_147, %dma_start3A_148] : memref<16x128xf32, #tpu.memory_space<vmem>> -> memref<1x128xf32, #tpu.memory_space<vmem>>
      %dma_start3A_150 = tpu.memref_squeeze %dma_start3A_149 : memref<1x128xf32, #tpu.memory_space<vmem>> -> memref<128xf32, #tpu.memory_space<vmem>>
      %dma_start3A_151 = arith.constant 0 : i32
      %dma_start3A_152 = tpu.memref_slice %arg5[%dma_start3A_146, %dma_start3A_151] : memref<16x128xi32, #tpu.memory_space<vmem>> -> memref<1x128xi32, #tpu.memory_space<vmem>>
      %dma_start3A_153 = tpu.memref_squeeze %dma_start3A_152 : memref<1x128xi32, #tpu.memory_space<vmem>> -> memref<128xi32, #tpu.memory_space<vmem>>
      %dma_start3A_154 = arith.constant 0 : i32
      %dma_start3A_155 = tpu.memref_slice %arg2[%dma_start3A_154] : memref<134217728xf32, #tpu.memory_space<hbm>> -> memref<134217728xf32, #tpu.memory_space<hbm>>
      tpu.enqueue_indirect_dma source(%dma_start3A_155 : memref<134217728xf32, #tpu.memory_space<hbm>>) target(%dma_start3A_150 : memref<128xf32, #tpu.memory_space<vmem>>) offsets(%dma_start3A_153 : memref<128xi32, #tpu.memory_space<vmem>>) semaphore(%arg7 : memref<!tpu.dma_semaphore, #tpu.memory_space<semaphore_mem>>)
      %dma_start3A_156 = arith.constant 15 : i32
      %dma_start3A_157 = arith.constant 15 : i32
      %dma_start3A_158 = arith.constant 0 : i32
      %dma_start3A_159 = tpu.memref_slice %arg6[%dma_start3A_157, %dma_start3A_158] : memref<16x128xf32, #tpu.memory_space<vmem>> -> memref<1x128xf32, #tpu.memory_space<vmem>>
      %dma_start3A_160 = tpu.memref_squeeze %dma_start3A_159 : memref<1x128xf32, #tpu.memory_space<vmem>> -> memref<128xf32, #tpu.memory_space<vmem>>
      %dma_start3A_161 = arith.constant 0 : i32
      %dma_start3A_162 = tpu.memref_slice %arg5[%dma_start3A_156, %dma_start3A_161] : memref<16x128xi32, #tpu.memory_space<vmem>> -> memref<1x128xi32, #tpu.memory_space<vmem>>
      %dma_start3A_163 = tpu.memref_squeeze %dma_start3A_162 : memref<1x128xi32, #tpu.memory_space<vmem>> -> memref<128xi32, #tpu.memory_space<vmem>>
      %dma_start3A_164 = arith.constant 0 : i32
      %dma_start3A_165 = tpu.memref_slice %arg2[%dma_start3A_164] : memref<134217728xf32, #tpu.memory_space<hbm>> -> memref<134217728xf32, #tpu.memory_space<hbm>>
      tpu.enqueue_indirect_dma source(%dma_start3A_165 : memref<134217728xf32, #tpu.memory_space<hbm>>) target(%dma_start3A_160 : memref<128xf32, #tpu.memory_space<vmem>>) offsets(%dma_start3A_163 : memref<128xi32, #tpu.memory_space<vmem>>) semaphore(%arg7 : memref<!tpu.dma_semaphore, #tpu.memory_space<semaphore_mem>>)
      %dma_wait3A = arith.constant 0 : i32
      %dma_wait3A_166 = arith.constant 0 : i32
      %dma_wait3A_167 = arith.constant 0 : i32
      %dma_wait3A_168 = tpu.memref_slice %arg6[%dma_wait3A_166, %dma_wait3A_167] : memref<16x128xf32, #tpu.memory_space<vmem>> -> memref<1x128xf32, #tpu.memory_space<vmem>>
      %dma_wait3A_169 = tpu.memref_squeeze %dma_wait3A_168 : memref<1x128xf32, #tpu.memory_space<vmem>> -> memref<128xf32, #tpu.memory_space<vmem>>
      %dma_wait3A_170 = arith.constant 0 : i32
      %dma_wait3A_171 = tpu.memref_slice %arg5[%dma_wait3A, %dma_wait3A_170] : memref<16x128xi32, #tpu.memory_space<vmem>> -> memref<1x128xi32, #tpu.memory_space<vmem>>
      %dma_wait3A_172 = tpu.memref_squeeze %dma_wait3A_171 : memref<1x128xi32, #tpu.memory_space<vmem>> -> memref<128xi32, #tpu.memory_space<vmem>>
      %dma_wait3A_173 = arith.constant 0 : i32
      %dma_wait3A_174 = tpu.memref_slice %arg2[%dma_wait3A_173] : memref<134217728xf32, #tpu.memory_space<hbm>> -> memref<134217728xf32, #tpu.memory_space<hbm>>
      tpu.wait_indirect_dma semaphore(%arg7 : memref<!tpu.dma_semaphore, #tpu.memory_space<semaphore_mem>>) src(%dma_wait3A_174 : memref<134217728xf32, #tpu.memory_space<hbm>>) dst(%dma_wait3A_169 : memref<128xf32, #tpu.memory_space<vmem>>)
      %dma_wait3A_175 = arith.constant 1 : i32
      %dma_wait3A_176 = arith.constant 1 : i32
      %dma_wait3A_177 = arith.constant 0 : i32
      %dma_wait3A_178 = tpu.memref_slice %arg6[%dma_wait3A_176, %dma_wait3A_177] : memref<16x128xf32, #tpu.memory_space<vmem>> -> memref<1x128xf32, #tpu.memory_space<vmem>>
      %dma_wait3A_179 = tpu.memref_squeeze %dma_wait3A_178 : memref<1x128xf32, #tpu.memory_space<vmem>> -> memref<128xf32, #tpu.memory_space<vmem>>
      %dma_wait3A_180 = arith.constant 0 : i32
      %dma_wait3A_181 = tpu.memref_slice %arg5[%dma_wait3A_175, %dma_wait3A_180] : memref<16x128xi32, #tpu.memory_space<vmem>> -> memref<1x128xi32, #tpu.memory_space<vmem>>
      %dma_wait3A_182 = tpu.memref_squeeze %dma_wait3A_181 : memref<1x128xi32, #tpu.memory_space<vmem>> -> memref<128xi32, #tpu.memory_space<vmem>>
      %dma_wait3A_183 = arith.constant 0 : i32
      %dma_wait3A_184 = tpu.memref_slice %arg2[%dma_wait3A_183] : memref<134217728xf32, #tpu.memory_space<hbm>> -> memref<134217728xf32, #tpu.memory_space<hbm>>
      tpu.wait_indirect_dma semaphore(%arg7 : memref<!tpu.dma_semaphore, #tpu.memory_space<semaphore_mem>>) src(%dma_wait3A_184 : memref<134217728xf32, #tpu.memory_space<hbm>>) dst(%dma_wait3A_179 : memref<128xf32, #tpu.memory_space<vmem>>)
      %dma_wait3A_185 = arith.constant 2 : i32
      %dma_wait3A_186 = arith.constant 2 : i32
      %dma_wait3A_187 = arith.constant 0 : i32
      %dma_wait3A_188 = tpu.memref_slice %arg6[%dma_wait3A_186, %dma_wait3A_187] : memref<16x128xf32, #tpu.memory_space<vmem>> -> memref<1x128xf32, #tpu.memory_space<vmem>>
      %dma_wait3A_189 = tpu.memref_squeeze %dma_wait3A_188 : memref<1x128xf32, #tpu.memory_space<vmem>> -> memref<128xf32, #tpu.memory_space<vmem>>
      %dma_wait3A_190 = arith.constant 0 : i32
      %dma_wait3A_191 = tpu.memref_slice %arg5[%dma_wait3A_185, %dma_wait3A_190] : memref<16x128xi32, #tpu.memory_space<vmem>> -> memref<1x128xi32, #tpu.memory_space<vmem>>
      %dma_wait3A_192 = tpu.memref_squeeze %dma_wait3A_191 : memref<1x128xi32, #tpu.memory_space<vmem>> -> memref<128xi32, #tpu.memory_space<vmem>>
      %dma_wait3A_193 = arith.constant 0 : i32
      %dma_wait3A_194 = tpu.memref_slice %arg2[%dma_wait3A_193] : memref<134217728xf32, #tpu.memory_space<hbm>> -> memref<134217728xf32, #tpu.memory_space<hbm>>
      tpu.wait_indirect_dma semaphore(%arg7 : memref<!tpu.dma_semaphore, #tpu.memory_space<semaphore_mem>>) src(%dma_wait3A_194 : memref<134217728xf32, #tpu.memory_space<hbm>>) dst(%dma_wait3A_189 : memref<128xf32, #tpu.memory_space<vmem>>)
      %dma_wait3A_195 = arith.constant 3 : i32
      %dma_wait3A_196 = arith.constant 3 : i32
      %dma_wait3A_197 = arith.constant 0 : i32
      %dma_wait3A_198 = tpu.memref_slice %arg6[%dma_wait3A_196, %dma_wait3A_197] : memref<16x128xf32, #tpu.memory_space<vmem>> -> memref<1x128xf32, #tpu.memory_space<vmem>>
      %dma_wait3A_199 = tpu.memref_squeeze %dma_wait3A_198 : memref<1x128xf32, #tpu.memory_space<vmem>> -> memref<128xf32, #tpu.memory_space<vmem>>
      %dma_wait3A_200 = arith.constant 0 : i32
      %dma_wait3A_201 = tpu.memref_slice %arg5[%dma_wait3A_195, %dma_wait3A_200] : memref<16x128xi32, #tpu.memory_space<vmem>> -> memref<1x128xi32, #tpu.memory_space<vmem>>
      %dma_wait3A_202 = tpu.memref_squeeze %dma_wait3A_201 : memref<1x128xi32, #tpu.memory_space<vmem>> -> memref<128xi32, #tpu.memory_space<vmem>>
      %dma_wait3A_203 = arith.constant 0 : i32
      %dma_wait3A_204 = tpu.memref_slice %arg2[%dma_wait3A_203] : memref<134217728xf32, #tpu.memory_space<hbm>> -> memref<134217728xf32, #tpu.memory_space<hbm>>
      tpu.wait_indirect_dma semaphore(%arg7 : memref<!tpu.dma_semaphore, #tpu.memory_space<semaphore_mem>>) src(%dma_wait3A_204 : memref<134217728xf32, #tpu.memory_space<hbm>>) dst(%dma_wait3A_199 : memref<128xf32, #tpu.memory_space<vmem>>)
      %dma_wait3A_205 = arith.constant 4 : i32
      %dma_wait3A_206 = arith.constant 4 : i32
      %dma_wait3A_207 = arith.constant 0 : i32
      %dma_wait3A_208 = tpu.memref_slice %arg6[%dma_wait3A_206, %dma_wait3A_207] : memref<16x128xf32, #tpu.memory_space<vmem>> -> memref<1x128xf32, #tpu.memory_space<vmem>>
      %dma_wait3A_209 = tpu.memref_squeeze %dma_wait3A_208 : memref<1x128xf32, #tpu.memory_space<vmem>> -> memref<128xf32, #tpu.memory_space<vmem>>
      %dma_wait3A_210 = arith.constant 0 : i32
      %dma_wait3A_211 = tpu.memref_slice %arg5[%dma_wait3A_205, %dma_wait3A_210] : memref<16x128xi32, #tpu.memory_space<vmem>> -> memref<1x128xi32, #tpu.memory_space<vmem>>
      %dma_wait3A_212 = tpu.memref_squeeze %dma_wait3A_211 : memref<1x128xi32, #tpu.memory_space<vmem>> -> memref<128xi32, #tpu.memory_space<vmem>>
      %dma_wait3A_213 = arith.constant 0 : i32
      %dma_wait3A_214 = tpu.memref_slice %arg2[%dma_wait3A_213] : memref<134217728xf32, #tpu.memory_space<hbm>> -> memref<134217728xf32, #tpu.memory_space<hbm>>
      tpu.wait_indirect_dma semaphore(%arg7 : memref<!tpu.dma_semaphore, #tpu.memory_space<semaphore_mem>>) src(%dma_wait3A_214 : memref<134217728xf32, #tpu.memory_space<hbm>>) dst(%dma_wait3A_209 : memref<128xf32, #tpu.memory_space<vmem>>)
      %dma_wait3A_215 = arith.constant 5 : i32
      %dma_wait3A_216 = arith.constant 5 : i32
      %dma_wait3A_217 = arith.constant 0 : i32
      %dma_wait3A_218 = tpu.memref_slice %arg6[%dma_wait3A_216, %dma_wait3A_217] : memref<16x128xf32, #tpu.memory_space<vmem>> -> memref<1x128xf32, #tpu.memory_space<vmem>>
      %dma_wait3A_219 = tpu.memref_squeeze %dma_wait3A_218 : memref<1x128xf32, #tpu.memory_space<vmem>> -> memref<128xf32, #tpu.memory_space<vmem>>
      %dma_wait3A_220 = arith.constant 0 : i32
      %dma_wait3A_221 = tpu.memref_slice %arg5[%dma_wait3A_215, %dma_wait3A_220] : memref<16x128xi32, #tpu.memory_space<vmem>> -> memref<1x128xi32, #tpu.memory_space<vmem>>
      %dma_wait3A_222 = tpu.memref_squeeze %dma_wait3A_221 : memref<1x128xi32, #tpu.memory_space<vmem>> -> memref<128xi32, #tpu.memory_space<vmem>>
      %dma_wait3A_223 = arith.constant 0 : i32
      %dma_wait3A_224 = tpu.memref_slice %arg2[%dma_wait3A_223] : memref<134217728xf32, #tpu.memory_space<hbm>> -> memref<134217728xf32, #tpu.memory_space<hbm>>
      tpu.wait_indirect_dma semaphore(%arg7 : memref<!tpu.dma_semaphore, #tpu.memory_space<semaphore_mem>>) src(%dma_wait3A_224 : memref<134217728xf32, #tpu.memory_space<hbm>>) dst(%dma_wait3A_219 : memref<128xf32, #tpu.memory_space<vmem>>)
      %dma_wait3A_225 = arith.constant 6 : i32
      %dma_wait3A_226 = arith.constant 6 : i32
      %dma_wait3A_227 = arith.constant 0 : i32
      %dma_wait3A_228 = tpu.memref_slice %arg6[%dma_wait3A_226, %dma_wait3A_227] : memref<16x128xf32, #tpu.memory_space<vmem>> -> memref<1x128xf32, #tpu.memory_space<vmem>>
      %dma_wait3A_229 = tpu.memref_squeeze %dma_wait3A_228 : memref<1x128xf32, #tpu.memory_space<vmem>> -> memref<128xf32, #tpu.memory_space<vmem>>
      %dma_wait3A_230 = arith.constant 0 : i32
      %dma_wait3A_231 = tpu.memref_slice %arg5[%dma_wait3A_225, %dma_wait3A_230] : memref<16x128xi32, #tpu.memory_space<vmem>> -> memref<1x128xi32, #tpu.memory_space<vmem>>
      %dma_wait3A_232 = tpu.memref_squeeze %dma_wait3A_231 : memref<1x128xi32, #tpu.memory_space<vmem>> -> memref<128xi32, #tpu.memory_space<vmem>>
      %dma_wait3A_233 = arith.constant 0 : i32
      %dma_wait3A_234 = tpu.memref_slice %arg2[%dma_wait3A_233] : memref<134217728xf32, #tpu.memory_space<hbm>> -> memref<134217728xf32, #tpu.memory_space<hbm>>
      tpu.wait_indirect_dma semaphore(%arg7 : memref<!tpu.dma_semaphore, #tpu.memory_space<semaphore_mem>>) src(%dma_wait3A_234 : memref<134217728xf32, #tpu.memory_space<hbm>>) dst(%dma_wait3A_229 : memref<128xf32, #tpu.memory_space<vmem>>)
      %dma_wait3A_235 = arith.constant 7 : i32
      %dma_wait3A_236 = arith.constant 7 : i32
      %dma_wait3A_237 = arith.constant 0 : i32
      %dma_wait3A_238 = tpu.memref_slice %arg6[%dma_wait3A_236, %dma_wait3A_237] : memref<16x128xf32, #tpu.memory_space<vmem>> -> memref<1x128xf32, #tpu.memory_space<vmem>>
      %dma_wait3A_239 = tpu.memref_squeeze %dma_wait3A_238 : memref<1x128xf32, #tpu.memory_space<vmem>> -> memref<128xf32, #tpu.memory_space<vmem>>
      %dma_wait3A_240 = arith.constant 0 : i32
      %dma_wait3A_241 = tpu.memref_slice %arg5[%dma_wait3A_235, %dma_wait3A_240] : memref<16x128xi32, #tpu.memory_space<vmem>> -> memref<1x128xi32, #tpu.memory_space<vmem>>
      %dma_wait3A_242 = tpu.memref_squeeze %dma_wait3A_241 : memref<1x128xi32, #tpu.memory_space<vmem>> -> memref<128xi32, #tpu.memory_space<vmem>>
      %dma_wait3A_243 = arith.constant 0 : i32
      %dma_wait3A_244 = tpu.memref_slice %arg2[%dma_wait3A_243] : memref<134217728xf32, #tpu.memory_space<hbm>> -> memref<134217728xf32, #tpu.memory_space<hbm>>
      tpu.wait_indirect_dma semaphore(%arg7 : memref<!tpu.dma_semaphore, #tpu.memory_space<semaphore_mem>>) src(%dma_wait3A_244 : memref<134217728xf32, #tpu.memory_space<hbm>>) dst(%dma_wait3A_239 : memref<128xf32, #tpu.memory_space<vmem>>)
      %dma_wait3A_245 = arith.constant 8 : i32
      %dma_wait3A_246 = arith.constant 8 : i32
      %dma_wait3A_247 = arith.constant 0 : i32
      %dma_wait3A_248 = tpu.memref_slice %arg6[%dma_wait3A_246, %dma_wait3A_247] : memref<16x128xf32, #tpu.memory_space<vmem>> -> memref<1x128xf32, #tpu.memory_space<vmem>>
      %dma_wait3A_249 = tpu.memref_squeeze %dma_wait3A_248 : memref<1x128xf32, #tpu.memory_space<vmem>> -> memref<128xf32, #tpu.memory_space<vmem>>
      %dma_wait3A_250 = arith.constant 0 : i32
      %dma_wait3A_251 = tpu.memref_slice %arg5[%dma_wait3A_245, %dma_wait3A_250] : memref<16x128xi32, #tpu.memory_space<vmem>> -> memref<1x128xi32, #tpu.memory_space<vmem>>
      %dma_wait3A_252 = tpu.memref_squeeze %dma_wait3A_251 : memref<1x128xi32, #tpu.memory_space<vmem>> -> memref<128xi32, #tpu.memory_space<vmem>>
      %dma_wait3A_253 = arith.constant 0 : i32
      %dma_wait3A_254 = tpu.memref_slice %arg2[%dma_wait3A_253] : memref<134217728xf32, #tpu.memory_space<hbm>> -> memref<134217728xf32, #tpu.memory_space<hbm>>
      tpu.wait_indirect_dma semaphore(%arg7 : memref<!tpu.dma_semaphore, #tpu.memory_space<semaphore_mem>>) src(%dma_wait3A_254 : memref<134217728xf32, #tpu.memory_space<hbm>>) dst(%dma_wait3A_249 : memref<128xf32, #tpu.memory_space<vmem>>)
      %dma_wait3A_255 = arith.constant 9 : i32
      %dma_wait3A_256 = arith.constant 9 : i32
      %dma_wait3A_257 = arith.constant 0 : i32
      %dma_wait3A_258 = tpu.memref_slice %arg6[%dma_wait3A_256, %dma_wait3A_257] : memref<16x128xf32, #tpu.memory_space<vmem>> -> memref<1x128xf32, #tpu.memory_space<vmem>>
      %dma_wait3A_259 = tpu.memref_squeeze %dma_wait3A_258 : memref<1x128xf32, #tpu.memory_space<vmem>> -> memref<128xf32, #tpu.memory_space<vmem>>
      %dma_wait3A_260 = arith.constant 0 : i32
      %dma_wait3A_261 = tpu.memref_slice %arg5[%dma_wait3A_255, %dma_wait3A_260] : memref<16x128xi32, #tpu.memory_space<vmem>> -> memref<1x128xi32, #tpu.memory_space<vmem>>
      %dma_wait3A_262 = tpu.memref_squeeze %dma_wait3A_261 : memref<1x128xi32, #tpu.memory_space<vmem>> -> memref<128xi32, #tpu.memory_space<vmem>>
      %dma_wait3A_263 = arith.constant 0 : i32
      %dma_wait3A_264 = tpu.memref_slice %arg2[%dma_wait3A_263] : memref<134217728xf32, #tpu.memory_space<hbm>> -> memref<134217728xf32, #tpu.memory_space<hbm>>
      tpu.wait_indirect_dma semaphore(%arg7 : memref<!tpu.dma_semaphore, #tpu.memory_space<semaphore_mem>>) src(%dma_wait3A_264 : memref<134217728xf32, #tpu.memory_space<hbm>>) dst(%dma_wait3A_259 : memref<128xf32, #tpu.memory_space<vmem>>)
      %dma_wait3A_265 = arith.constant 10 : i32
      %dma_wait3A_266 = arith.constant 10 : i32
      %dma_wait3A_267 = arith.constant 0 : i32
      %dma_wait3A_268 = tpu.memref_slice %arg6[%dma_wait3A_266, %dma_wait3A_267] : memref<16x128xf32, #tpu.memory_space<vmem>> -> memref<1x128xf32, #tpu.memory_space<vmem>>
      %dma_wait3A_269 = tpu.memref_squeeze %dma_wait3A_268 : memref<1x128xf32, #tpu.memory_space<vmem>> -> memref<128xf32, #tpu.memory_space<vmem>>
      %dma_wait3A_270 = arith.constant 0 : i32
      %dma_wait3A_271 = tpu.memref_slice %arg5[%dma_wait3A_265, %dma_wait3A_270] : memref<16x128xi32, #tpu.memory_space<vmem>> -> memref<1x128xi32, #tpu.memory_space<vmem>>
      %dma_wait3A_272 = tpu.memref_squeeze %dma_wait3A_271 : memref<1x128xi32, #tpu.memory_space<vmem>> -> memref<128xi32, #tpu.memory_space<vmem>>
      %dma_wait3A_273 = arith.constant 0 : i32
      %dma_wait3A_274 = tpu.memref_slice %arg2[%dma_wait3A_273] : memref<134217728xf32, #tpu.memory_space<hbm>> -> memref<134217728xf32, #tpu.memory_space<hbm>>
      tpu.wait_indirect_dma semaphore(%arg7 : memref<!tpu.dma_semaphore, #tpu.memory_space<semaphore_mem>>) src(%dma_wait3A_274 : memref<134217728xf32, #tpu.memory_space<hbm>>) dst(%dma_wait3A_269 : memref<128xf32, #tpu.memory_space<vmem>>)
      %dma_wait3A_275 = arith.constant 11 : i32
      %dma_wait3A_276 = arith.constant 11 : i32
      %dma_wait3A_277 = arith.constant 0 : i32
      %dma_wait3A_278 = tpu.memref_slice %arg6[%dma_wait3A_276, %dma_wait3A_277] : memref<16x128xf32, #tpu.memory_space<vmem>> -> memref<1x128xf32, #tpu.memory_space<vmem>>
      %dma_wait3A_279 = tpu.memref_squeeze %dma_wait3A_278 : memref<1x128xf32, #tpu.memory_space<vmem>> -> memref<128xf32, #tpu.memory_space<vmem>>
      %dma_wait3A_280 = arith.constant 0 : i32
      %dma_wait3A_281 = tpu.memref_slice %arg5[%dma_wait3A_275, %dma_wait3A_280] : memref<16x128xi32, #tpu.memory_space<vmem>> -> memref<1x128xi32, #tpu.memory_space<vmem>>
      %dma_wait3A_282 = tpu.memref_squeeze %dma_wait3A_281 : memref<1x128xi32, #tpu.memory_space<vmem>> -> memref<128xi32, #tpu.memory_space<vmem>>
      %dma_wait3A_283 = arith.constant 0 : i32
      %dma_wait3A_284 = tpu.memref_slice %arg2[%dma_wait3A_283] : memref<134217728xf32, #tpu.memory_space<hbm>> -> memref<134217728xf32, #tpu.memory_space<hbm>>
      tpu.wait_indirect_dma semaphore(%arg7 : memref<!tpu.dma_semaphore, #tpu.memory_space<semaphore_mem>>) src(%dma_wait3A_284 : memref<134217728xf32, #tpu.memory_space<hbm>>) dst(%dma_wait3A_279 : memref<128xf32, #tpu.memory_space<vmem>>)
      %dma_wait3A_285 = arith.constant 12 : i32
      %dma_wait3A_286 = arith.constant 12 : i32
      %dma_wait3A_287 = arith.constant 0 : i32
      %dma_wait3A_288 = tpu.memref_slice %arg6[%dma_wait3A_286, %dma_wait3A_287] : memref<16x128xf32, #tpu.memory_space<vmem>> -> memref<1x128xf32, #tpu.memory_space<vmem>>
      %dma_wait3A_289 = tpu.memref_squeeze %dma_wait3A_288 : memref<1x128xf32, #tpu.memory_space<vmem>> -> memref<128xf32, #tpu.memory_space<vmem>>
      %dma_wait3A_290 = arith.constant 0 : i32
      %dma_wait3A_291 = tpu.memref_slice %arg5[%dma_wait3A_285, %dma_wait3A_290] : memref<16x128xi32, #tpu.memory_space<vmem>> -> memref<1x128xi32, #tpu.memory_space<vmem>>
      %dma_wait3A_292 = tpu.memref_squeeze %dma_wait3A_291 : memref<1x128xi32, #tpu.memory_space<vmem>> -> memref<128xi32, #tpu.memory_space<vmem>>
      %dma_wait3A_293 = arith.constant 0 : i32
      %dma_wait3A_294 = tpu.memref_slice %arg2[%dma_wait3A_293] : memref<134217728xf32, #tpu.memory_space<hbm>> -> memref<134217728xf32, #tpu.memory_space<hbm>>
      tpu.wait_indirect_dma semaphore(%arg7 : memref<!tpu.dma_semaphore, #tpu.memory_space<semaphore_mem>>) src(%dma_wait3A_294 : memref<134217728xf32, #tpu.memory_space<hbm>>) dst(%dma_wait3A_289 : memref<128xf32, #tpu.memory_space<vmem>>)
      %dma_wait3A_295 = arith.constant 13 : i32
      %dma_wait3A_296 = arith.constant 13 : i32
      %dma_wait3A_297 = arith.constant 0 : i32
      %dma_wait3A_298 = tpu.memref_slice %arg6[%dma_wait3A_296, %dma_wait3A_297] : memref<16x128xf32, #tpu.memory_space<vmem>> -> memref<1x128xf32, #tpu.memory_space<vmem>>
      %dma_wait3A_299 = tpu.memref_squeeze %dma_wait3A_298 : memref<1x128xf32, #tpu.memory_space<vmem>> -> memref<128xf32, #tpu.memory_space<vmem>>
      %dma_wait3A_300 = arith.constant 0 : i32
      %dma_wait3A_301 = tpu.memref_slice %arg5[%dma_wait3A_295, %dma_wait3A_300] : memref<16x128xi32, #tpu.memory_space<vmem>> -> memref<1x128xi32, #tpu.memory_space<vmem>>
      %dma_wait3A_302 = tpu.memref_squeeze %dma_wait3A_301 : memref<1x128xi32, #tpu.memory_space<vmem>> -> memref<128xi32, #tpu.memory_space<vmem>>
      %dma_wait3A_303 = arith.constant 0 : i32
      %dma_wait3A_304 = tpu.memref_slice %arg2[%dma_wait3A_303] : memref<134217728xf32, #tpu.memory_space<hbm>> -> memref<134217728xf32, #tpu.memory_space<hbm>>
      tpu.wait_indirect_dma semaphore(%arg7 : memref<!tpu.dma_semaphore, #tpu.memory_space<semaphore_mem>>) src(%dma_wait3A_304 : memref<134217728xf32, #tpu.memory_space<hbm>>) dst(%dma_wait3A_299 : memref<128xf32, #tpu.memory_space<vmem>>)
      %dma_wait3A_305 = arith.constant 14 : i32
      %dma_wait3A_306 = arith.constant 14 : i32
      %dma_wait3A_307 = arith.constant 0 : i32
      %dma_wait3A_308 = tpu.memref_slice %arg6[%dma_wait3A_306, %dma_wait3A_307] : memref<16x128xf32, #tpu.memory_space<vmem>> -> memref<1x128xf32, #tpu.memory_space<vmem>>
      %dma_wait3A_309 = tpu.memref_squeeze %dma_wait3A_308 : memref<1x128xf32, #tpu.memory_space<vmem>> -> memref<128xf32, #tpu.memory_space<vmem>>
      %dma_wait3A_310 = arith.constant 0 : i32
      %dma_wait3A_311 = tpu.memref_slice %arg5[%dma_wait3A_305, %dma_wait3A_310] : memref<16x128xi32, #tpu.memory_space<vmem>> -> memref<1x128xi32, #tpu.memory_space<vmem>>
      %dma_wait3A_312 = tpu.memref_squeeze %dma_wait3A_311 : memref<1x128xi32, #tpu.memory_space<vmem>> -> memref<128xi32, #tpu.memory_space<vmem>>
      %dma_wait3A_313 = arith.constant 0 : i32
      %dma_wait3A_314 = tpu.memref_slice %arg2[%dma_wait3A_313] : memref<134217728xf32, #tpu.memory_space<hbm>> -> memref<134217728xf32, #tpu.memory_space<hbm>>
      tpu.wait_indirect_dma semaphore(%arg7 : memref<!tpu.dma_semaphore, #tpu.memory_space<semaphore_mem>>) src(%dma_wait3A_314 : memref<134217728xf32, #tpu.memory_space<hbm>>) dst(%dma_wait3A_309 : memref<128xf32, #tpu.memory_space<vmem>>)
      %dma_wait3A_315 = arith.constant 15 : i32
      %dma_wait3A_316 = arith.constant 15 : i32
      %dma_wait3A_317 = arith.constant 0 : i32
      %dma_wait3A_318 = tpu.memref_slice %arg6[%dma_wait3A_316, %dma_wait3A_317] : memref<16x128xf32, #tpu.memory_space<vmem>> -> memref<1x128xf32, #tpu.memory_space<vmem>>
      %dma_wait3A_319 = tpu.memref_squeeze %dma_wait3A_318 : memref<1x128xf32, #tpu.memory_space<vmem>> -> memref<128xf32, #tpu.memory_space<vmem>>
      %dma_wait3A_320 = arith.constant 0 : i32
      %dma_wait3A_321 = tpu.memref_slice %arg5[%dma_wait3A_315, %dma_wait3A_320] : memref<16x128xi32, #tpu.memory_space<vmem>> -> memref<1x128xi32, #tpu.memory_space<vmem>>
      %dma_wait3A_322 = tpu.memref_squeeze %dma_wait3A_321 : memref<1x128xi32, #tpu.memory_space<vmem>> -> memref<128xi32, #tpu.memory_space<vmem>>
      %dma_wait3A_323 = arith.constant 0 : i32
      %dma_wait3A_324 = tpu.memref_slice %arg2[%dma_wait3A_323] : memref<134217728xf32, #tpu.memory_space<hbm>> -> memref<134217728xf32, #tpu.memory_space<hbm>>
      tpu.wait_indirect_dma semaphore(%arg7 : memref<!tpu.dma_semaphore, #tpu.memory_space<semaphore_mem>>) src(%dma_wait3A_324 : memref<134217728xf32, #tpu.memory_space<hbm>>) dst(%dma_wait3A_319 : memref<128xf32, #tpu.memory_space<vmem>>)
      "tpu.region"() ({
        %run_scoped3A = tpu.sem_alloc : memref<!tpu.dma_semaphore, #tpu.memory_space<semaphore_mem>>
        %dma_start3A_325 = arith.constant 0 : i32
        %dma_start3A_326 = arith.constant 0 : i32
        %dma_start3A_327 = tpu.memref_slice %arg4[%add3A, %scan3A_6, %dma_start3A_325, %dma_start3A_326] : memref<32x32x16x128xf32, #tpu.memory_space<hbm>> -> memref<1x1x16x128xf32, #tpu.memory_space<hbm>>
        %dma_start3A_328 = tpu.memref_squeeze %dma_start3A_327 : memref<1x1x16x128xf32, #tpu.memory_space<hbm>> -> memref<16x128xf32, #tpu.memory_space<hbm>>
        %dma_start3A_329 = arith.constant 0 : i32
        %dma_start3A_330 = arith.constant 0 : i32
        %dma_start3A_331 = tpu.memref_slice %arg4[%add3A, %scan3A_6, %dma_start3A_329, %dma_start3A_330] : memref<32x32x16x128xf32, #tpu.memory_space<hbm>> -> memref<1x1x16x128xf32, #tpu.memory_space<hbm>>
        %dma_start3A_332 = tpu.memref_squeeze %dma_start3A_331 : memref<1x1x16x128xf32, #tpu.memory_space<hbm>> -> memref<16x128xf32, #tpu.memory_space<hbm>>
        tpu.enqueue_dma source(%arg6 : memref<16x128xf32, #tpu.memory_space<vmem>>) target(%dma_start3A_332 : memref<16x128xf32, #tpu.memory_space<hbm>>) target_semaphore(%run_scoped3A : memref<!tpu.dma_semaphore, #tpu.memory_space<semaphore_mem>>)
        %dma_wait3A_333 = arith.constant 0 : i32
        %dma_wait3A_334 = arith.constant 0 : i32
        %dma_wait3A_335 = tpu.memref_slice %arg4[%add3A, %scan3A_6, %dma_wait3A_333, %dma_wait3A_334] : memref<32x32x16x128xf32, #tpu.memory_space<hbm>> -> memref<1x1x16x128xf32, #tpu.memory_space<hbm>>
        %dma_wait3A_336 = tpu.memref_squeeze %dma_wait3A_335 : memref<1x1x16x128xf32, #tpu.memory_space<hbm>> -> memref<16x128xf32, #tpu.memory_space<hbm>>
        %dma_wait3A_337 = arith.constant 0 : i32
        %dma_wait3A_338 = arith.constant 0 : i32
        %dma_wait3A_339 = tpu.memref_slice %arg4[%add3A, %scan3A_6, %dma_wait3A_337, %dma_wait3A_338] : memref<32x32x16x128xf32, #tpu.memory_space<hbm>> -> memref<1x1x16x128xf32, #tpu.memory_space<hbm>>
        %dma_wait3A_340 = tpu.memref_squeeze %dma_wait3A_339 : memref<1x1x16x128xf32, #tpu.memory_space<hbm>> -> memref<16x128xf32, #tpu.memory_space<hbm>>
        tpu.wait_dma2 semaphore(%run_scoped3A : memref<!tpu.dma_semaphore, #tpu.memory_space<semaphore_mem>>) src(%arg6 : memref<16x128xf32, #tpu.memory_space<vmem>>) dst(%dma_wait3A_340 : memref<16x128xf32, #tpu.memory_space<hbm>>)
        tpu.yield
      }) : () -> ()
    }
    %scan3A_5 = arith.constant 32 : i32
    return
  }
}

module attributes {stable_mosaic.version = 14 : i64} {
  func.func @_topk_body(%arg0: memref<8x4x8x2048xf32, #tpu.memory_space<vmem>>, %arg1: memref<8x4x64xi32, #tpu.memory_space<vmem>>, %arg2: memref<32x8x2048xf32, #tpu.memory_space<vmem>>) attributes {dimension_semantics = [], scalar_prefetch = 0 : i64, scratch_operands = 1 : i64, tpu.core_type = #tpu.core_type<tc>} {
    %get3A = arith.constant 0 : index
    %get3A_0 = arith.constant 0 : index
    %get3A_1 = arith.constant 0 : index
    %get3A_2 = arith.constant 0 : index
    %get3A_3 = vector.load %arg0[%get3A, %get3A_0, %get3A_1, %get3A_2] : memref<8x4x8x2048xf32, #tpu.memory_space<vmem>>, vector<8x4x8x2048xf32>
    %reshape3A = vector.shape_cast %get3A_3 : vector<8x4x8x2048xf32> to vector<32x8x2048xf32>
    %swap3A = arith.constant 0 : index
    %swap3A_4 = arith.constant 0 : index
    %swap3A_5 = arith.constant 0 : index
    %swap3A_6 = vector.load %arg2[%swap3A, %swap3A_4, %swap3A_5] : memref<32x8x2048xf32, #tpu.memory_space<vmem>>, vector<32x8x2048xf32>
    tpu.vector_store %arg2[%swap3A, %swap3A_4, %swap3A_5], %reshape3A {strides = array<i32>} : memref<32x8x2048xf32, #tpu.memory_space<vmem>>, vector<32x8x2048xf32>,
    %iota3A = tpu.iota {dimensions = array<i32: 2>} : vector<32x8x2048xi32>
    %iota3A_7 = tpu.iota {dimensions = array<i32: 1>} : vector<32x8x2048xi32>
    %mul3A = arith.constant 2048 : i32
    %mul3A_8 = vector.broadcast %mul3A : i32 to vector<32x8x2048xi32>
    %mul3A_9 = arith.muli %iota3A_7, %mul3A_8 : vector<32x8x2048xi32>
    %add3A = arith.addi %iota3A, %mul3A_9 : vector<32x8x2048xi32>
    %iota3A_10 = tpu.iota {dimensions = array<i32: 2>} : vector<32x8x24xi32>
    %broadcast_in_dim3A = arith.constant -1.000000e+00 : f32
    %broadcast_in_dim3A_11 = vector.broadcast %broadcast_in_dim3A : f32 to vector<32x8x24xf32>
    %broadcast_in_dim3A_12 = arith.constant 16384 : i32
    %broadcast_in_dim3A_13 = vector.broadcast %broadcast_in_dim3A_12 : i32 to vector<32x8x24xi32>
    %scan3A = arith.constant 0 : i32
    %scan3A_14 = arith.constant 24 : i32
    %scan3A_15 = arith.addi %scan3A, %scan3A_14 : i32
    %scan3A_16 = arith.constant 1 : i32
    %scan3A_17:2 = scf.for %scan3A_44 = %scan3A to %scan3A_15 step %scan3A_16 iter_args(%scan3A_45 = %broadcast_in_dim3A_11, %scan3A_46 = %broadcast_in_dim3A_13) -> (vector<32x8x24xf32>, vector<32x8x24xi32>)  : i32 {
      %get3A_47 = arith.constant 0 : index
      %get3A_48 = arith.constant 0 : index
      %get3A_49 = arith.constant 0 : index
      %get3A_50 = vector.load %arg2[%get3A_47, %get3A_48, %get3A_49] : memref<32x8x2048xf32, #tpu.memory_space<vmem>>, vector<32x8x2048xf32>
      %reduce_max3A_51 = arith.constant dense<0xFF800000> : vector<32x8xf32>
      %reduce_max3A_52 = vector.multi_reduction <maximumf>, %get3A_50, %reduce_max3A_51 [2] : vector<32x8x2048xf32> to vector<32x8xf32>
      %broadcast_in_dim3A_53 = vector.shape_cast %reduce_max3A_52 : vector<32x8xf32> to vector<32x8x1xf32>
      %eq3A = vector.broadcast %broadcast_in_dim3A_53 : vector<32x8x1xf32> to vector<32x8x2048xf32>
      %eq3A_54 = arith.cmpf oeq, %get3A_50, %eq3A : vector<32x8x2048xf32>
      %jit3A = arith.constant 16384 : i32
      %broadcast_in_dim3A_55 = vector.broadcast %jit3A : i32 to vector<32x8x2048xi32>
      %select_n3A = arith.select %eq3A_54, %add3A, %broadcast_in_dim3A_55 : vector<32x8x2048xi1>, vector<32x8x2048xi32>
      %reduce_min3A = arith.constant dense<2147483647> : vector<32x8xi32>
      %reduce_min3A_56 = vector.multi_reduction <minsi>, %select_n3A, %reduce_min3A [2] : vector<32x8x2048xi32> to vector<32x8xi32>
      %broadcast_in_dim3A_57 = vector.shape_cast %reduce_min3A_56 : vector<32x8xi32> to vector<32x8x1xi32>
      %eq3A_58 = vector.broadcast %broadcast_in_dim3A_57 : vector<32x8x1xi32> to vector<32x8x2048xi32>
      %eq3A_59 = arith.cmpi eq, %add3A, %eq3A_58 : vector<32x8x2048xi32>
      %jit3A_60 = arith.constant -1.000000e+00 : f32
      %broadcast_in_dim3A_61 = vector.broadcast %jit3A_60 : f32 to vector<32x8x2048xf32>
      %select_n3A_62 = arith.select %eq3A_59, %broadcast_in_dim3A_61, %get3A_50 : vector<32x8x2048xi1>, vector<32x8x2048xf32>
      %swap3A_63 = arith.constant 0 : index
      %swap3A_64 = arith.constant 0 : index
      %swap3A_65 = arith.constant 0 : index
      %swap3A_66 = vector.load %arg2[%swap3A_63, %swap3A_64, %swap3A_65] : memref<32x8x2048xf32, #tpu.memory_space<vmem>>, vector<32x8x2048xf32>
      tpu.vector_store %arg2[%swap3A_63, %swap3A_64, %swap3A_65], %select_n3A_62 {strides = array<i32>} : memref<32x8x2048xf32, #tpu.memory_space<vmem>>, vector<32x8x2048xf32>,
      %eq3A_67 = vector.broadcast %scan3A_44 : i32 to vector<32x8x24xi32>
      %eq3A_68 = arith.cmpi eq, %iota3A_10, %eq3A_67 : vector<32x8x24xi32>
      %broadcast_in_dim3A_69 = vector.shape_cast %broadcast_in_dim3A_53 : vector<32x8x1xf32> to vector<32x8x1xf32>
      %broadcast_in_dim3A_70 = vector.broadcast %broadcast_in_dim3A_69 : vector<32x8x1xf32> to vector<32x8x24xf32>
      %select_n3A_71 = arith.select %eq3A_68, %broadcast_in_dim3A_70, %scan3A_45 : vector<32x8x24xi1>, vector<32x8x24xf32>
      %broadcast_in_dim3A_72 = vector.shape_cast %broadcast_in_dim3A_57 : vector<32x8x1xi32> to vector<32x8x1xi32>
      %broadcast_in_dim3A_73 = vector.broadcast %broadcast_in_dim3A_72 : vector<32x8x1xi32> to vector<32x8x24xi32>
      %select_n3A_74 = arith.select %eq3A_68, %broadcast_in_dim3A_73, %scan3A_46 : vector<32x8x24xi1>, vector<32x8x24xi32>
      scf.yield %select_n3A_71, %select_n3A_74 : vector<32x8x24xf32>, vector<32x8x24xi32>
    }
    %scan3A_18 = arith.constant 24 : i32
    %iota3A_19 = tpu.iota {dimensions = array<i32: 1>} : vector<32x64xi32>
    %broadcast_in_dim3A_20 = arith.constant 0 : i32
    %broadcast_in_dim3A_21 = vector.broadcast %broadcast_in_dim3A_20 : i32 to vector<32x64xi32>
    %broadcast_in_dim3A_22 = arith.constant 0 : i32
    %broadcast_in_dim3A_23 = vector.broadcast %broadcast_in_dim3A_22 : i32 to vector<32x8x24xi32>
    %scan3A_24 = arith.constant 0 : i32
    %scan3A_25 = arith.constant 64 : i32
    %scan3A_26 = arith.addi %scan3A_24, %scan3A_25 : i32
    %scan3A_27 = arith.constant 1 : i32
    %scan3A_28:3 = scf.for %scan3A_44 = %scan3A_24 to %scan3A_26 step %scan3A_27 iter_args(%scan3A_45 = %scan3A_17#0, %scan3A_46 = %broadcast_in_dim3A_21, %scan3A_47 = %broadcast_in_dim3A_23) -> (vector<32x8x24xf32>, vector<32x64xi32>, vector<32x8x24xi32>)  : i32 {
      %reduce_max3A_48 = arith.constant dense<0xFF800000> : vector<32x8xf32>
      %reduce_max3A_49 = vector.multi_reduction <maximumf>, %scan3A_45, %reduce_max3A_48 [2] : vector<32x8x24xf32> to vector<32x8xf32>
      %broadcast_in_dim3A_50 = vector.shape_cast %reduce_max3A_49 : vector<32x8xf32> to vector<32x8x1xf32>
      %reduce_max3A_51 = arith.constant dense<0xFF800000> : vector<32x1xf32>
      %reduce_max3A_52 = vector.multi_reduction <maximumf>, %broadcast_in_dim3A_50, %reduce_max3A_51 [1] : vector<32x8x1xf32> to vector<32x1xf32>
      %broadcast_in_dim3A_53 = vector.shape_cast %reduce_max3A_52 : vector<32x1xf32> to vector<32x1x1xf32>
      %eq3A = vector.broadcast %broadcast_in_dim3A_53 : vector<32x1x1xf32> to vector<32x8x24xf32>
      %eq3A_54 = arith.cmpf oeq, %scan3A_45, %eq3A : vector<32x8x24xf32>
      %jit3A = arith.constant 16384 : i32
      %broadcast_in_dim3A_55 = vector.broadcast %jit3A : i32 to vector<32x8x24xi32>
      %select_n3A = arith.select %eq3A_54, %scan3A_17#1, %broadcast_in_dim3A_55 : vector<32x8x24xi1>, vector<32x8x24xi32>
      %reduce_min3A = arith.constant dense<2147483647> : vector<32x8xi32>
      %reduce_min3A_56 = vector.multi_reduction <minsi>, %select_n3A, %reduce_min3A [2] : vector<32x8x24xi32> to vector<32x8xi32>
      %broadcast_in_dim3A_57 = vector.shape_cast %reduce_min3A_56 : vector<32x8xi32> to vector<32x8x1xi32>
      %reduce_min3A_58 = arith.constant dense<2147483647> : vector<32x1xi32>
      %reduce_min3A_59 = vector.multi_reduction <minsi>, %broadcast_in_dim3A_57, %reduce_min3A_58 [1] : vector<32x8x1xi32> to vector<32x1xi32>
      %broadcast_in_dim3A_60 = vector.shape_cast %reduce_min3A_59 : vector<32x1xi32> to vector<32x1x1xi32>
      %eq3A_61 = vector.broadcast %broadcast_in_dim3A_60 : vector<32x1x1xi32> to vector<32x8x24xi32>
      %eq3A_62 = arith.cmpi eq, %scan3A_17#1, %eq3A_61 : vector<32x8x24xi32>
      %jit3A_63 = arith.constant -1.000000e+00 : f32
      %broadcast_in_dim3A_64 = vector.broadcast %jit3A_63 : f32 to vector<32x8x24xf32>
      %select_n3A_65 = arith.select %eq3A_62, %broadcast_in_dim3A_64, %scan3A_45 : vector<32x8x24xi1>, vector<32x8x24xf32>
      %convert_element_type3A_66 = arith.extui %eq3A_62 : vector<32x8x24xi1> to vector<32x8x24xi32>
      %add3A_67 = arith.addi %scan3A_47, %convert_element_type3A_66 : vector<32x8x24xi32>
      %eq3A_68 = vector.broadcast %scan3A_44 : i32 to vector<32x64xi32>
      %eq3A_69 = arith.cmpi eq, %iota3A_19, %eq3A_68 : vector<32x64xi32>
      %squeeze3A = vector.shape_cast %broadcast_in_dim3A_60 : vector<32x1x1xi32> to vector<32x1xi32>
      %broadcast_in_dim3A_70 = vector.shape_cast %squeeze3A : vector<32x1xi32> to vector<32x1xi32>
      %broadcast_in_dim3A_71 = vector.broadcast %broadcast_in_dim3A_70 : vector<32x1xi32> to vector<32x64xi32>
      %select_n3A_72 = arith.select %eq3A_69, %broadcast_in_dim3A_71, %scan3A_46 : vector<32x64xi1>, vector<32x64xi32>
      scf.yield %select_n3A_65, %select_n3A_72, %add3A_67 : vector<32x8x24xf32>, vector<32x64xi32>, vector<32x8x24xi32>
    }
    %scan3A_29 = arith.constant 64 : i32
    %reshape3A_30 = vector.shape_cast %scan3A_28#1 : vector<32x64xi32> to vector<8x4x64xi32>
    %swap3A_31 = arith.constant 0 : index
    %swap3A_32 = arith.constant 0 : index
    %swap3A_33 = arith.constant 0 : index
    %swap3A_34 = vector.load %arg1[%swap3A_31, %swap3A_32, %swap3A_33] : memref<8x4x64xi32, #tpu.memory_space<vmem>>, vector<8x4x64xi32>
    tpu.vector_store %arg1[%swap3A_31, %swap3A_32, %swap3A_33], %reshape3A_30 {strides = array<i32>} : memref<8x4x64xi32, #tpu.memory_space<vmem>>, vector<8x4x64xi32>,
    %reduce_sum3A = arith.constant dense<0> : vector<32x8xi32>
    %reduce_sum3A_35 = vector.multi_reduction <add>, %scan3A_28#2, %reduce_sum3A [2] : vector<32x8x24xi32> to vector<32x8xi32>
    %reduce_max3A = arith.constant dense<-2147483648> : vector<32xi32>
    %reduce_max3A_36 = vector.multi_reduction <maxsi>, %reduce_sum3A_35, %reduce_max3A [1] : vector<32x8xi32> to vector<32xi32>
    %reduce_max3A_37 = vector.shape_cast %reduce_max3A_36 : vector<32xi32> to vector<1x32xi32>
    %reduce_max3A_38 = arith.constant dense<-2147483648> : vector<1xi32>
    %reduce_max3A_39 = vector.multi_reduction <maxsi>, %reduce_max3A_37, %reduce_max3A_38 [1] : vector<1x32xi32> to vector<1xi32>
    %reduce_max3A_40 = vector.shape_cast %reduce_max3A_39 : vector<1xi32> to vector<1x1xi32>
    %reduce_max3A_41 = vector.extract %reduce_max3A_40[0, 0] : i32 from vector<1x1xi32>
    %ge3A = arith.constant 24 : i32
    %ge3A_42 = arith.cmpi sge, %reduce_max3A_41, %ge3A : i32
    %convert_element_type3A = arith.extui %ge3A_42 : i1 to i32
    %cond3A = arith.constant 0 : i32
    %cond3A_43 = arith.cmpi ne, %convert_element_type3A, %cond3A : i32
    scf.if %cond3A_43 {
      %get3A_44 = arith.constant 0 : index
      %get3A_45 = arith.constant 0 : index
      %get3A_46 = arith.constant 0 : index
      %get3A_47 = arith.constant 0 : index
      %get3A_48 = vector.load %arg0[%get3A_44, %get3A_45, %get3A_46, %get3A_47] : memref<8x4x8x2048xf32, #tpu.memory_space<vmem>>, vector<8x4x8x2048xf32>
      %reshape3A_49 = vector.shape_cast %get3A_48 : vector<8x4x8x2048xf32> to vector<32x8x2048xf32>
      %swap3A_50 = arith.constant 0 : index
      %swap3A_51 = arith.constant 0 : index
      %swap3A_52 = arith.constant 0 : index
      %swap3A_53 = vector.load %arg2[%swap3A_50, %swap3A_51, %swap3A_52] : memref<32x8x2048xf32, #tpu.memory_space<vmem>>, vector<32x8x2048xf32>
      tpu.vector_store %arg2[%swap3A_50, %swap3A_51, %swap3A_52], %reshape3A_49 {strides = array<i32>} : memref<32x8x2048xf32, #tpu.memory_space<vmem>>, vector<32x8x2048xf32>,
      %broadcast_in_dim3A_54 = arith.constant 0 : i32
      %broadcast_in_dim3A_55 = vector.broadcast %broadcast_in_dim3A_54 : i32 to vector<32x64xi32>
      %scan3A_56 = arith.constant 0 : i32
      %scan3A_57 = arith.constant 64 : i32
      %scan3A_58 = arith.addi %scan3A_56, %scan3A_57 : i32
      %scan3A_59 = arith.constant 1 : i32
      %scan3A_60 = scf.for %scan3A_67 = %scan3A_56 to %scan3A_58 step %scan3A_59 iter_args(%scan3A_68 = %broadcast_in_dim3A_55) -> (vector<32x64xi32>)  : i32 {
        %get3A_69 = arith.constant 0 : index
        %get3A_70 = arith.constant 0 : index
        %get3A_71 = arith.constant 0 : index
        %get3A_72 = vector.load %arg2[%get3A_69, %get3A_70, %get3A_71] : memref<32x8x2048xf32, #tpu.memory_space<vmem>>, vector<32x8x2048xf32>
        %reduce_max3A_73 = arith.constant dense<0xFF800000> : vector<32x8xf32>
        %reduce_max3A_74 = vector.multi_reduction <maximumf>, %get3A_72, %reduce_max3A_73 [2] : vector<32x8x2048xf32> to vector<32x8xf32>
        %broadcast_in_dim3A_75 = vector.shape_cast %reduce_max3A_74 : vector<32x8xf32> to vector<32x8x1xf32>
        %reduce_max3A_76 = arith.constant dense<0xFF800000> : vector<32x1xf32>
        %reduce_max3A_77 = vector.multi_reduction <maximumf>, %broadcast_in_dim3A_75, %reduce_max3A_76 [1] : vector<32x8x1xf32> to vector<32x1xf32>
        %broadcast_in_dim3A_78 = vector.shape_cast %reduce_max3A_77 : vector<32x1xf32> to vector<32x1x1xf32>
        %eq3A = vector.broadcast %broadcast_in_dim3A_78 : vector<32x1x1xf32> to vector<32x8x2048xf32>
        %eq3A_79 = arith.cmpf oeq, %get3A_72, %eq3A : vector<32x8x2048xf32>
        %jit3A = arith.constant 16384 : i32
        %broadcast_in_dim3A_80 = vector.broadcast %jit3A : i32 to vector<32x8x2048xi32>
        %select_n3A = arith.select %eq3A_79, %add3A, %broadcast_in_dim3A_80 : vector<32x8x2048xi1>, vector<32x8x2048xi32>
        %reduce_min3A = arith.constant dense<2147483647> : vector<32x8xi32>
        %reduce_min3A_81 = vector.multi_reduction <minsi>, %select_n3A, %reduce_min3A [2] : vector<32x8x2048xi32> to vector<32x8xi32>
        %broadcast_in_dim3A_82 = vector.shape_cast %reduce_min3A_81 : vector<32x8xi32> to vector<32x8x1xi32>
        %reduce_min3A_83 = arith.constant dense<2147483647> : vector<32x1xi32>
        %reduce_min3A_84 = vector.multi_reduction <minsi>, %broadcast_in_dim3A_82, %reduce_min3A_83 [1] : vector<32x8x1xi32> to vector<32x1xi32>
        %broadcast_in_dim3A_85 = vector.shape_cast %reduce_min3A_84 : vector<32x1xi32> to vector<32x1x1xi32>
        %eq3A_86 = vector.broadcast %broadcast_in_dim3A_85 : vector<32x1x1xi32> to vector<32x8x2048xi32>
        %eq3A_87 = arith.cmpi eq, %add3A, %eq3A_86 : vector<32x8x2048xi32>
        %jit3A_88 = arith.constant -1.000000e+00 : f32
        %broadcast_in_dim3A_89 = vector.broadcast %jit3A_88 : f32 to vector<32x8x2048xf32>
        %select_n3A_90 = arith.select %eq3A_87, %broadcast_in_dim3A_89, %get3A_72 : vector<32x8x2048xi1>, vector<32x8x2048xf32>
        %swap3A_91 = arith.constant 0 : index
        %swap3A_92 = arith.constant 0 : index
        %swap3A_93 = arith.constant 0 : index
        %swap3A_94 = vector.load %arg2[%swap3A_91, %swap3A_92, %swap3A_93] : memref<32x8x2048xf32, #tpu.memory_space<vmem>>, vector<32x8x2048xf32>
        tpu.vector_store %arg2[%swap3A_91, %swap3A_92, %swap3A_93], %select_n3A_90 {strides = array<i32>} : memref<32x8x2048xf32, #tpu.memory_space<vmem>>, vector<32x8x2048xf32>,
        %eq3A_95 = vector.broadcast %scan3A_67 : i32 to vector<32x64xi32>
        %eq3A_96 = arith.cmpi eq, %iota3A_19, %eq3A_95 : vector<32x64xi32>
        %squeeze3A = vector.shape_cast %broadcast_in_dim3A_85 : vector<32x1x1xi32> to vector<32x1xi32>
        %broadcast_in_dim3A_97 = vector.shape_cast %squeeze3A : vector<32x1xi32> to vector<32x1xi32>
        %broadcast_in_dim3A_98 = vector.broadcast %broadcast_in_dim3A_97 : vector<32x1xi32> to vector<32x64xi32>
        %select_n3A_99 = arith.select %eq3A_96, %broadcast_in_dim3A_98, %scan3A_68 : vector<32x64xi1>, vector<32x64xi32>
        scf.yield %select_n3A_99 : vector<32x64xi32>
      }
      %scan3A_61 = arith.constant 64 : i32
      %reshape3A_62 = vector.shape_cast %scan3A_60 : vector<32x64xi32> to vector<8x4x64xi32>
      %swap3A_63 = arith.constant 0 : index
      %swap3A_64 = arith.constant 0 : index
      %swap3A_65 = arith.constant 0 : index
      %swap3A_66 = vector.load %arg1[%swap3A_63, %swap3A_64, %swap3A_65] : memref<8x4x64xi32, #tpu.memory_space<vmem>>, vector<8x4x64xi32>
      tpu.vector_store %arg1[%swap3A_63, %swap3A_64, %swap3A_65], %reshape3A_62 {strides = array<i32>} : memref<8x4x64xi32, #tpu.memory_space<vmem>>, vector<8x4x64xi32>,
    } else {
    }
    return
  }
}

module attributes {stable_mosaic.version = 14 : i64} {
  func.func @_qkv_body(%arg0: i32, %arg1: i32, %arg2: memref<1x768x1024xbf16, #tpu.memory_space<vmem>>, %arg3: memref<768x1024xbf16, #tpu.memory_space<vmem>>, %arg4: memref<1x768xf32, #tpu.memory_space<vmem>>, %arg5: memref<1x768x768xbf16, #tpu.memory_space<vmem>>) attributes {dimension_semantics = [#tpu.dimension_semantics<parallel>, #tpu.dimension_semantics<arbitrary>], iteration_bounds = array<i64: 8, 4>, scalar_prefetch = 0 : i64, scratch_operands = 0 : i64, tpu.core_type = #tpu.core_type<tc>, window_params = [{transform_indices = @transform_0, window_bounds = array<i64: 1, 768, 1024>}, {transform_indices = @transform_1, window_bounds = array<i64: 768, 1024>}, {transform_indices = @transform_2, window_bounds = array<i64: 1, 768>}, {transform_indices = @transform_3, window_bounds = array<i64: 1, 768, 768>}]} {
    %get3A = arith.constant 0 : index
    %get3A_0 = arith.constant 0 : index
    %get3A_1 = arith.constant 0 : index
    %get3A_2 = vector.load %arg2[%get3A, %get3A_0, %get3A_1] : memref<1x768x1024xbf16, #tpu.memory_space<vmem>>, vector<1x768x1024xbf16>
    %get3A_3 = vector.shape_cast %get3A_2 : vector<1x768x1024xbf16> to vector<768x1024xbf16>
    %get3A_4 = arith.constant 0 : index
    %get3A_5 = arith.constant 0 : index
    %get3A_6 = vector.load %arg3[%get3A_4, %get3A_5] : memref<768x1024xbf16, #tpu.memory_space<vmem>>, vector<768x1024xbf16>
    %dot_general3A = arith.constant dense<0.000000e+00> : vector<768x768xf32>
    %dot_general3A_7 = tpu.matmul %get3A_3, %get3A_6, %dot_general3A {dimension_numbers = #tpu.dot_dimension_numbers<[1], [1], [0], [0], [0, 0, 1, 0], [], []>, transpose_lhs_hint = false} : vector<768x1024xbf16>, vector<768x1024xbf16>, vector<768x768xf32> -> vector<768x768xf32>
    %get3A_8 = arith.constant 0 : index
    %get3A_9 = arith.constant 0 : index
    %get3A_10 = vector.load %arg4[%get3A_8, %get3A_9] : memref<1x768xf32, #tpu.memory_space<vmem>>, vector<1x768xf32>
    %add3A = vector.broadcast %get3A_10 : vector<1x768xf32> to vector<768x768xf32>
    %add3A_11 = arith.addf %dot_general3A_7, %add3A : vector<768x768xf32>
    %convert_element_type3A = arith.truncf %add3A_11 : vector<768x768xf32> to vector<768x768xbf16>
    %swap3A = arith.constant 0 : index
    %swap3A_12 = arith.constant 0 : index
    %swap3A_13 = arith.constant 0 : index
    %swap3A_14 = vector.load %arg5[%swap3A, %swap3A_12, %swap3A_13] : memref<1x768x768xbf16, #tpu.memory_space<vmem>>, vector<1x768x768xbf16>
    %swap3A_15 = vector.shape_cast %swap3A_14 : vector<1x768x768xbf16> to vector<768x768xbf16>
    %swap3A_16 = vector.shape_cast %convert_element_type3A : vector<768x768xbf16> to vector<1x768x768xbf16>
    tpu.vector_store %arg5[%swap3A, %swap3A_12, %swap3A_13], %swap3A_16 {strides = array<i32>} : memref<1x768x768xbf16, #tpu.memory_space<vmem>>, vector<1x768x768xbf16>,
    return
  }
  func.func @transform_0(%arg0: i32, %arg1: i32) -> (i32, i32, i32) {
    %c0_i32 = arith.constant 0 : i32
    %c0_i32_0 = arith.constant 0 : i32
    %c0_i32_1 = arith.constant 0 : i32
    return %arg0, %c0_i32, %c0_i32_0 : i32, i32, i32
  }
  func.func @transform_1(%arg0: i32, %arg1: i32) -> (i32, i32) {
    %c0_i32 = arith.constant 0 : i32
    %c0_i32_0 = arith.constant 0 : i32
    return %arg1, %c0_i32 : i32, i32
  }
  func.func @transform_2(%arg0: i32, %arg1: i32) -> (i32, i32) {
    %c0_i32 = arith.constant 0 : i32
    %c0_i32_0 = arith.constant 0 : i32
    return %c0_i32, %arg1 : i32, i32
  }
  func.func @transform_3(%arg0: i32, %arg1: i32) -> (i32, i32, i32) {
    %c0_i32 = arith.constant 0 : i32
    %c0_i32_0 = arith.constant 0 : i32
    return %arg0, %c0_i32, %arg1 : i32, i32, i32
  }
}

module attributes {stable_mosaic.version = 14 : i64} {
  func.func @_attn_body(%arg0: i32, %arg1: i32, %arg2: memref<1x768x128xbf16, #tpu.memory_space<vmem>>, %arg3: memref<1x768x128xbf16, #tpu.memory_space<vmem>>, %arg4: memref<1x768x128xbf16, #tpu.memory_space<vmem>>, %arg5: memref<1x1x768xf32, #tpu.memory_space<vmem>>, %arg6: memref<1024x1024xbf16, #tpu.memory_space<vmem>>, %arg7: memref<1x1024xf32, #tpu.memory_space<vmem>>, %arg8: memref<1x768x1024xf32, #tpu.memory_space<vmem>>, %arg9: memref<768x1024xbf16, #tpu.memory_space<vmem>>) attributes {dimension_semantics = [#tpu.dimension_semantics<parallel>, #tpu.dimension_semantics<arbitrary>], iteration_bounds = array<i64: 8, 8>, scalar_prefetch = 0 : i64, scratch_operands = 1 : i64, tpu.core_type = #tpu.core_type<tc>, window_params = [{transform_indices = @transform_0, window_bounds = array<i64: 1, 768, 128>}, {transform_indices = @transform_1, window_bounds = array<i64: 1, 768, 128>}, {transform_indices = @transform_2, window_bounds = array<i64: 1, 768, 128>}, {transform_indices = @transform_3, window_bounds = array<i64: 1, 1, 768>}, {pipeline_mode = #tpu.pipeline_mode<synchronous>, transform_indices = @transform_4, window_bounds = array<i64: 1024, 1024>}, {pipeline_mode = #tpu.pipeline_mode<synchronous>, transform_indices = @transform_5, window_bounds = array<i64: 1, 1024>}, {transform_indices = @transform_6, window_bounds = array<i64: 1, 768, 1024>}]} {
    %get3A = arith.constant 0 : index
    %get3A_0 = arith.constant 0 : index
    %get3A_1 = arith.constant 0 : index
    %get3A_2 = vector.load %arg2[%get3A, %get3A_0, %get3A_1] : memref<1x768x128xbf16, #tpu.memory_space<vmem>>, vector<1x768x128xbf16>
    %get3A_3 = vector.shape_cast %get3A_2 : vector<1x768x128xbf16> to vector<768x128xbf16>
    %get3A_4 = arith.constant 0 : index
    %get3A_5 = arith.constant 0 : index
    %get3A_6 = arith.constant 0 : index
    %get3A_7 = vector.load %arg3[%get3A_4, %get3A_5, %get3A_6] : memref<1x768x128xbf16, #tpu.memory_space<vmem>>, vector<1x768x128xbf16>
    %get3A_8 = vector.shape_cast %get3A_7 : vector<1x768x128xbf16> to vector<768x128xbf16>
    %dot_general3A = arith.constant dense<0.000000e+00> : vector<768x768xf32>
    %dot_general3A_9 = tpu.matmul %get3A_3, %get3A_8, %dot_general3A {dimension_numbers = #tpu.dot_dimension_numbers<[1], [1], [0], [0], [0, 0, 1, 0], [], []>, transpose_lhs_hint = false} : vector<768x128xbf16>, vector<768x128xbf16>, vector<768x768xf32> -> vector<768x768xf32>
    %mul3A = arith.constant 0.0883883461 : f32
    %mul3A_10 = vector.broadcast %mul3A : f32 to vector<768x768xf32>
    %mul3A_11 = arith.mulf %dot_general3A_9, %mul3A_10 : vector<768x768xf32>
    %get3A_12 = arith.constant 0 : index
    %get3A_13 = arith.constant 0 : index
    %get3A_14 = arith.constant 0 : index
    %get3A_15 = vector.load %arg5[%get3A_12, %get3A_13, %get3A_14] : memref<1x1x768xf32, #tpu.memory_space<vmem>>, vector<1x1x768xf32>
    %get3A_16 = vector.shape_cast %get3A_15 : vector<1x1x768xf32> to vector<1x768xf32>
    %add3A = vector.broadcast %get3A_16 : vector<1x768xf32> to vector<768x768xf32>
    %add3A_17 = arith.addf %mul3A_11, %add3A : vector<768x768xf32>
    %exp3A = math.exp %add3A_17 : vector<768x768xf32>
    %reduce_sum3A = arith.constant dense<0.000000e+00> : vector<768xf32>
    %reduce_sum3A_18 = vector.multi_reduction <add>, %exp3A, %reduce_sum3A [1] : vector<768x768xf32> to vector<768xf32>
    %broadcast_in_dim3A = vector.shape_cast %reduce_sum3A_18 : vector<768xf32> to vector<768x1xf32>
    %div3A = arith.constant 1.000000e+00 : f32
    %div3A_19 = vector.broadcast %div3A : f32 to vector<768x1xf32>
    %div3A_20 = arith.divf %div3A_19, %broadcast_in_dim3A : vector<768x1xf32>
    %convert_element_type3A = arith.truncf %exp3A : vector<768x768xf32> to vector<768x768xbf16>
    %get3A_21 = arith.constant 0 : index
    %get3A_22 = arith.constant 0 : index
    %get3A_23 = arith.constant 0 : index
    %get3A_24 = vector.load %arg4[%get3A_21, %get3A_22, %get3A_23] : memref<1x768x128xbf16, #tpu.memory_space<vmem>>, vector<1x768x128xbf16>
    %get3A_25 = vector.shape_cast %get3A_24 : vector<1x768x128xbf16> to vector<768x128xbf16>
    %dot_general3A_26 = arith.constant dense<0.000000e+00> : vector<768x128xf32>
    %dot_general3A_27 = tpu.matmul %convert_element_type3A, %get3A_25, %dot_general3A_26 {dimension_numbers = #tpu.dot_dimension_numbers<[1], [0], [0], [1], [0, 0, 1, 1], [], []>, transpose_lhs_hint = false} : vector<768x768xbf16>, vector<768x128xbf16>, vector<768x128xf32> -> vector<768x128xf32>
    %mul3A_28 = vector.broadcast %div3A_20 : vector<768x1xf32> to vector<768x128xf32>
    %mul3A_29 = arith.mulf %dot_general3A_27, %mul3A_28 : vector<768x128xf32>
    %convert_element_type3A_30 = arith.truncf %mul3A_29 : vector<768x128xf32> to vector<768x128xbf16>
    %mul3A_31 = arith.constant 128 : i32
    %mul3A_32 = arith.muli %arg1, %mul3A_31 : i32
    %swap3A = arith.constant 0 : index
    %swap3A_33 = arith.index_cast %mul3A_32 : i32 to index
    %swap3A_34 = vector.load %arg9[%swap3A, %swap3A_33] : memref<768x1024xbf16, #tpu.memory_space<vmem>>, vector<768x128xbf16>
    tpu.vector_store %arg9[%swap3A, %swap3A_33], %convert_element_type3A_30 {strides = array<i32>} : memref<768x1024xbf16, #tpu.memory_space<vmem>>, vector<768x128xbf16>,
    %eq3A = arith.constant 7 : i32
    %eq3A_35 = arith.cmpi eq, %arg1, %eq3A : i32
    %convert_element_type3A_36 = arith.extui %eq3A_35 : i1 to i32
    %cond3A = arith.constant 0 : i32
    %cond3A_37 = arith.cmpi ne, %convert_element_type3A_36, %cond3A : i32
    scf.if %cond3A_37 {
      %get3A_38 = arith.constant 0 : index
      %get3A_39 = arith.constant 0 : index
      %get3A_40 = vector.load %arg9[%get3A_38, %get3A_39] : memref<768x1024xbf16, #tpu.memory_space<vmem>>, vector<768x1024xbf16>
      %get3A_41 = arith.constant 0 : index
      %get3A_42 = arith.constant 0 : index
      %get3A_43 = vector.load %arg6[%get3A_41, %get3A_42] : memref<1024x1024xbf16, #tpu.memory_space<vmem>>, vector<1024x1024xbf16>
      %dot_general3A_44 = arith.constant dense<0.000000e+00> : vector<768x1024xf32>
      %dot_general3A_45 = tpu.matmul %get3A_40, %get3A_43, %dot_general3A_44 {dimension_numbers = #tpu.dot_dimension_numbers<[1], [1], [0], [0], [0, 0, 1, 0], [], []>, transpose_lhs_hint = false} : vector<768x1024xbf16>, vector<1024x1024xbf16>, vector<768x1024xf32> -> vector<768x1024xf32>
      %get3A_46 = arith.constant 0 : index
      %get3A_47 = arith.constant 0 : index
      %get3A_48 = vector.load %arg7[%get3A_46, %get3A_47] : memref<1x1024xf32, #tpu.memory_space<vmem>>, vector<1x1024xf32>
      %add3A_49 = vector.broadcast %get3A_48 : vector<1x1024xf32> to vector<768x1024xf32>
      %add3A_50 = arith.addf %dot_general3A_45, %add3A_49 : vector<768x1024xf32>
      %swap3A_51 = arith.constant 0 : index
      %swap3A_52 = arith.constant 0 : index
      %swap3A_53 = arith.constant 0 : index
      %swap3A_54 = vector.load %arg8[%swap3A_51, %swap3A_52, %swap3A_53] : memref<1x768x1024xf32, #tpu.memory_space<vmem>>, vector<1x768x1024xf32>
      %swap3A_55 = vector.shape_cast %swap3A_54 : vector<1x768x1024xf32> to vector<768x1024xf32>
      %swap3A_56 = vector.shape_cast %add3A_50 : vector<768x1024xf32> to vector<1x768x1024xf32>
      tpu.vector_store %arg8[%swap3A_51, %swap3A_52, %swap3A_53], %swap3A_56 {strides = array<i32>} : memref<1x768x1024xf32, #tpu.memory_space<vmem>>, vector<1x768x1024xf32>,
    } else {
    }
    return
  }
  func.func @transform_0(%arg0: i32, %arg1: i32) -> (i32, i32, i32) {
    %c0_i32 = arith.constant 0 : i32
    %c0_i32_0 = arith.constant 0 : i32
    return %arg0, %c0_i32, %arg1 : i32, i32, i32
  }
  func.func @transform_1(%arg0: i32, %arg1: i32) -> (i32, i32, i32) {
    %add3A = arith.constant 8 : i32
    %add3A_0 = arith.addi %add3A, %arg1 : i32
    %c0_i32 = arith.constant 0 : i32
    %c0_i32_1 = arith.constant 0 : i32
    return %arg0, %c0_i32, %add3A_0 : i32, i32, i32
  }
  func.func @transform_2(%arg0: i32, %arg1: i32) -> (i32, i32, i32) {
    %add3A = arith.constant 16 : i32
    %add3A_0 = arith.addi %add3A, %arg1 : i32
    %c0_i32 = arith.constant 0 : i32
    %c0_i32_1 = arith.constant 0 : i32
    return %arg0, %c0_i32, %add3A_0 : i32, i32, i32
  }
  func.func @transform_3(%arg0: i32, %arg1: i32) -> (i32, i32, i32) {
    %c0_i32 = arith.constant 0 : i32
    %c0_i32_0 = arith.constant 0 : i32
    %c0_i32_1 = arith.constant 0 : i32
    return %arg0, %c0_i32, %c0_i32_0 : i32, i32, i32
  }
  func.func @transform_4(%arg0: i32, %arg1: i32) -> (i32, i32) {
    %c0_i32 = arith.constant 0 : i32
    %c0_i32_0 = arith.constant 0 : i32
    %c0_i32_1 = arith.constant 0 : i32
    return %c0_i32, %c0_i32_0 : i32, i32
  }
  func.func @transform_5(%arg0: i32, %arg1: i32) -> (i32, i32) {
    %c0_i32 = arith.constant 0 : i32
    %c0_i32_0 = arith.constant 0 : i32
    %c0_i32_1 = arith.constant 0 : i32
    return %c0_i32, %c0_i32_0 : i32, i32
  }
  func.func @transform_6(%arg0: i32, %arg1: i32) -> (i32, i32, i32) {
    %c0_i32 = arith.constant 0 : i32
    %c0_i32_0 = arith.constant 0 : i32
    %c0_i32_1 = arith.constant 0 : i32
    return %arg0, %c0_i32, %c0_i32_0 : i32, i32, i32
  }
}

</mosaic_0001>

<sc_bundles>
// kernel: kernel.6.cloned.1.call-start
scs
__scs_entry_jumppad:
0x0: {  	(pc) =	sbr.rel $0x88, $3  }
0x1: {  	(tag) =	ssettag $0x0;
	lr =	simm.s32 $0x1  }
0x2: {  	[smem:$0x3F98] =	sst lr;
	_ =	strace $0xD0000000  }
0x3: {  	_ = 	snop  }
0x4: {  	_ = 	snop  }
0x5: {  	_ = 	snop  }
0x6: {  	_ = 	snop  }
0x7: {  	_ = 	snop  }
__scs_overlays_trampoline_lowered:
0x8: {  	[smem:$0x3FA7] =	sst s0  }
0x9: {  	[smem:$0x3FA8] =	sst s1  }
0xa: {  	[smem:$0x3FA9] =	sst s2  }
0xb: {  	[smem:$0x3FAA] =	sst s3  }
0xc: {  	[smem:$0x3FAB] =	sst s4  }
0xd: {  	[smem:$0x3FAC] =	sst s5  }
0xe: {  	[smem:$0x3FAD] =	sst s6  }
0xf: {  	[smem:$0x3FAE] =	sst s7  }
0x10: {  	[smem:$0x3FAF] =	sst s8  }
0x11: {  	[smem:$0x3FB0] =	sst s9;
	s0 =	simm.s32 @!p0 $0x0  }
0x12: {  	s1 =	sld [smem:$0x3F96];
	s0 =	simm.s32 @p0 $0x1  }
0x13: {  	[smem:$0x3FB1] =	sst s0;
	s0 =	simm.s32 @!p1 $0x0  }
0x14: {  	s2 =	sld [smem:$0x3F95];
	s0 =	simm.s32 @p1 $0x1  }
0x15: {  	[smem:$0x3FB2] =	sst s0;
	s0 =	simm.s32 @!p2 $0x0  }
0x16: {  	s3 =	sld [smem:$0x3FDB];
	s0 =	simm.s32 @p2 $0x1  }
0x17: {  	s4 =	simm.s32 $0x1BF5;
	[smem:$0x3FB4] =	sst s0  }
0x18: {  	s0 =	sld [smem:$0x3F97];
	_ =	swait.ge [sflag:s4], $0x0  }
0x19: {  	s7 =	sld [smem:$0x3F98]  }
0x1a: {  	s8 =	sadd.s32 $0xFFFFE003, lr  }
0x1b: {  	s9 =	sadd.s32 $0xFFFFFEF7, lr;
	s5 =	simm.s32 $0xFFFFFFFF;
	p2 =	slt.u32 s8, $0xFFFFF086  }
0x1c: {  	p1 =	slt.u32 s9, $0xF7A;
	s5 =	simm.s32 @!p2 $0x0  }
0x1d: {  	s5 =	simm.s32 @p1 $0x1;
	p0 =	seq.s32 s7, s2  }
0x1e: {  	s7 =	smul.u32 @!p0 $0xF7A, s2;
	p2 =	seq.s32 @!p0 s5, $0x0  }
0x1f: {  	s9 =	smul.u32 $0xF7A, s1;
	s8 =	simm.s32 @!p0 $0x1BF5;
	p2 =	por !p2, p0  }
0x20: {  	[sflag:s8] =	ssyncset.s32 @!p0 $0xFFFFF086;
	s6 =	sadd.s32 @!p0 s3, s7;
	s7 =	simm.s32 @!p0 $0x108  }
0x21: {  	s3 =	sadd.s32 s3, s9;
	s6 =	sadd.s32 @!p0 $0x88, s6;
	s7 =	simm.s32 @p2 $0x1082  }
0x22: {  	[simem:s7], [sflag:s8] =	dma.local @!p0 [hbm:s6], $0xF7A  }
0x23: {  	s9 =	sor.u32 $0xD0000000, s2;
	s6 =	simm.s32 $0x108;
	_ =	swait.ge @!p0 [sflag:s8], $0x0  }
0x24: {  	s3 =	sadd.s32 $0x88, s3;
	s6 =	simm.s32 @!p1 $0x1082;
	[sflag:s4] =	ssyncset.s32 $0xFFFFF086  }
0x25: {  	[simem:s6], [sflag:s4] =	dma.local [hbm:s3], $0xF7A  }
0x26: {  	[smem:$0x3F98] =	sst s1;
	(tag) =	ssettag s2;
	_ =	strace s9  }
0x27: {  	s1 =	sld [smem:$0x3FA8]  }
0x28: {  	s2 =	sld [smem:$0x3FA9]  }
0x29: {  	s4 =	sld [smem:$0x3FAB]  }
0x2a: {  	p0 =	seq.s32 s5, $0x0;
	s5 =	sld [smem:$0x3FAC]  }
0x2b: {  	s6 =	sld [smem:$0x3FAD]  }
0x2c: {  	s7 =	sld [smem:$0x3FAE]  }
0x2d: {  	s3 =	simm.s32 $0x108;
	s8 =	sld [smem:$0x3FAF]  }
0x2e: {  	s3 =	simm.s32 @!p0 $0x1082;
	s9 =	sld [smem:$0x3FB0]  }
0x2f: {  	lr =	sadd.s32 s0, s3;
	s0 =	sld [smem:$0x3FA7]  }
0x30: {  	s3 =	sld [smem:$0x3FAA]  }
0x31: {  	[smem:$0x3FB3] =	sst s10  }
0x32: {  	s10 =	sld [smem:$0x3FB1];
	_ =	sdelay $0x3  }
0x33: {  	p0 =	seq.s32 s10, $0x1;
	s10 =	sld [smem:$0x3FB3];
	_ =	sdelay $0x3  }
0x34: {  	[smem:$0x3FB3] =	sst s10  }
0x35: {  	s10 =	sld [smem:$0x3FB2];
	_ =	sdelay $0x3  }
0x36: {  	p1 =	seq.s32 s10, $0x1;
	s10 =	sld [smem:$0x3FB3];
	_ =	sdelay $0x3  }
0x37: {  	[smem:$0x3FB3] =	sst s10  }
0x38: {  	s10 =	sld [smem:$0x3FB4]  }
0x39: {  	_ = 	snop;
	(pc) =	sbr.ind lr, $3  }
0x3a: {  	_ = 	snop  }
0x3b: {  	_ = 	snop  }
0x3c: {  	p2 =	seq.s32 s10, $0x1;
	s10 =	sld [smem:$0x3FB3]  }
0x3d: {  	_ =	shalt  }
0x3e: {  	_ =	shalt  }
0x3f: {  	_ =	shalt  }
0x40: {  	_ =	shalt  }
0x41: {  	_ =	shalt  }
0x42: {  	_ =	shalt  }
0x43: {  	_ =	shalt  }
0x44: {  	_ =	shalt  }
0x45: {  	_ =	shalt  }
0x46: {  	_ =	shalt  }
0x47: {  	_ =	shalt  }
0x48: {  	_ =	shalt  }
0x49: {  	_ =	shalt  }
0x4a: {  	_ =	shalt  }
0x4b: {  	_ =	shalt  }
0x4c: {  	_ =	shalt  }
0x4d: {  	_ =	shalt  }
0x4e: {  	_ =	shalt  }
0x4f: {  	_ =	shalt  }
0x50: {  	_ =	shalt  }
0x51: {  	_ =	shalt  }
0x52: {  	_ =	shalt  }
0x53: {  	_ =	shalt  }
0x54: {  	_ =	shalt  }
0x55: {  	_ =	shalt  }
0x56: {  	_ =	shalt  }
0x57: {  	_ =	shalt  }
0x58: {  	_ =	shalt  }
0x59: {  	_ =	shalt  }
0x5a: {  	_ =	shalt  }
0x5b: {  	_ =	shalt  }
0x5c: {  	_ =	shalt  }
0x5d: {  	_ =	shalt  }
0x5e: {  	_ =	shalt  }
0x5f: {  	_ =	shalt  }
0x60: {  	_ =	shalt  }
0x61: {  	_ =	shalt  }
0x62: {  	_ =	shalt  }
0x63: {  	_ =	shalt  }
0x64: {  	_ =	shalt  }
0x65: {  	_ =	shalt  }
0x66: {  	_ =	shalt  }
0x67: {  	_ =	shalt  }
0x68: {  	_ =	shalt  }
0x69: {  	_ =	shalt  }
0x6a: {  	_ =	shalt  }
0x6b: {  	_ =	shalt  }
0x6c: {  	_ =	shalt  }
0x6d: {  	_ =	shalt  }
0x6e: {  	_ =	shalt  }
0x6f: {  	_ =	shalt  }
0x70: {  	_ =	shalt  }
0x71: {  	_ =	shalt  }
0x72: {  	_ =	shalt  }
0x73: {  	_ =	shalt  }
0x74: {  	_ =	shalt  }
0x75: {  	_ =	shalt  }
0x76: {  	_ =	shalt  }
0x77: {  	_ =	shalt  }
0x78: {  	_ =	shalt  }
0x79: {  	_ =	shalt  }
0x7a: {  	_ =	shalt  }
0x7b: {  	_ =	shalt  }
0x7c: {  	_ =	shalt  }
0x7d: {  	_ =	shalt  }
0x7e: {  	_ =	shalt  }
0x7f: {  	_ =	shalt  }
0x80: {  	_ =	shalt  }
0x81: {  	_ =	shalt  }
0x82: {  	_ =	shalt  }
0x83: {  	_ =	shalt  }
0x84: {  	_ =	shalt  }
0x85: {  	_ =	shalt  }
0x86: {  	_ =	shalt  }
0x87: {  	_ =	shalt  }
.Lfunc_end0:
.L_simem_size_0:
called_computation.1_lowered:
.L_overlay_start_0:
0x88: {  	s2 =	sld [smem:$0x3FD9]  }
0x89: {  	s3 =	sld [smem:$0x3FFE];
	_ =	sdelay $0x1  }
0x8a: {  	s1 =	srdreg.scid  }
0x8b: {  	s0 =	sand.u32 $0x1, s1  }
0x8c: {  	s14 =	sshll.u32 s0, $0xA;
	s2 =	sadd.s32 s3, s2  }
0x8d: {  	s2 =	sadd.s32 s2, s14  }
0x8e: {  	[smem:$0x3FBF] =	sst s2  }
0x8f: {  	_ = 	snop  }
0x90: {  	s2 =	sld [smem:$0x3FD0];
	_ =	sdelay $0x2  }
0x91: {  	s15 =	simm.s32 $0xA;
	s4 =	simm.s32 $0x10  }
0x92: {  	[smem:s4], [sflag:s15] =	dma.local [hbm:s2], $0x1  }
0x93: {  	_ =	swait.eq [sflag:s15], $0x1  }
0x94: {  	[sflag:s15] =	ssyncset.done $0x0  }
0x95: {  	[sflag:s15] =	ssyncadd.s32 $0xFFFFFFFF  }
0x96: {  	s16 =	sld [smem:$0x10];
	(tm) =	ssettm $0x1  }
0x97: {  	s17 =	sld [smem:$0x3FFB];
	_ =	sdelay $0x3  }
0x98: {  	_ =	strace s17  }
0x99: {  	s3 =	sld [smem:$0x3FFC];
	_ =	sdelay $0x3  }
0x9a: {  	_ =	strace s3  }
0x9b: {  	s3 =	sld [smem:$0x3FFD];
	_ =	sdelay $0x3  }
0x9c: {  	_ =	strace s3  }
0x9d: {  	_ =	strace $0x8FFFFFFF  }
0x9e: {  	s18 =	sld [smem:$0x3FDB];
	_ =	sdelay $0x1  }
0x9f: {  	s19 =	simm.s32 $_scs_section_size  }
0xa0: {  	s5 =	simm.s32 $_size__tile_overlayer_lowered;
	s6 =	simm.s32 $_tile_overlayer_lowered  }
0xa1: {  	s22 =	simm.s32 $0x1BFF;
	s21 =	sshll.u32 s6, $0x1;
	s3 =	sadd.s32 s19, s18  }
0xa2: {  	s7 =	simm.s32 $0x0;
	s20 =	sshll.u32 s5, $0x1;
	s5 =	sadd.s32 s21, s3  }
0xa3: {  	[timem:s7], [sflag:s22] =	dma.local [hbm:s5], s20  }
0xa4: {  	_ =	swait.ge [sflag:s22], s20  }
0xa5: {  	s4 =	ssub.s32 $0x0, s20;
	[sflag:s22] =	ssyncset.done $0x0  }
0xa6: {  	[sflag:s22] =	ssyncadd.s32 s4;
	_ =	sdelay $0x1  }
0xa7: {  	s23 =	simm.s32 $0x1B8B  }
0xa8: {  	_ =	swait.ge [sflag:s23], $0x1  }
0xa9: {  	[sflag:s23] =	ssyncset.done $0x0  }
0xaa: {  	s25 =	simm.s32 $0x1B8E;
	s24 =	sld [smem:$0x3FFE];
	[sflag:s23] =	ssyncadd.s32 $0xFFFFFFFF  }
0xab: {  	s26 =	simm.s32 $execute0_lowered;
	[smem:$0x3FD2] =	sst s25  }
0xac: {  	s5 =	sshll.u32 s26, $0x1;
	_ =	strace $0x80000049;
	[dreg:$0x1] =	wrdreg $0xFFFFFFFF  }
0xad: {  	s28 =	simm.s32 $_size_execute0_lowered;
	s3 =	sadd.s32 s3, s5;
	[dreg:$0x0] =	wrdreg $0x0  }
0xae: {  	s5 =	sshll.u32 s28, $0x1;
	[dreg:$0x2] =	wrdreg s3  }
0xaf: {  	[dreg:$0x3] =	wrdreg s5  }
0xb0: {  	[dreg:$0x4] =	wrdreg $0xC0  }
0xb1: {  	_ =	task [dreg:s7], $0x5FFFF  }
0xb2: {  	[dreg:$0x1] =	wrdreg $0xFFFFFFFF  }
0xb3: {  	[dreg:$0x0] =	wrdreg $0x60  }
0xb4: {  	[dreg:$0x2] =	wrdreg s24  }
0xb5: {  	[dreg:$0x3] =	wrdreg s16  }
0xb6: {  	[dreg:$0x4] =	wrdreg $0x9  }
0xb7: {  	_ =	task.clear_ibuf [dreg:s7], $0x5FFFF;
	_ =	strace $0x90000049  }
0xb8: {  	s29 =	simm.s32 $0x9;
	_ =	strace $0x8000004B  }
0xb9: {  	_ =	swait.ge [sflag:s29], $0x1  }
0xba: {  	[sflag:s29] =	ssyncadd.s32 $0xFFFFFFFF  }
0xbb: {  	_ =	strace $0x9000004B  }
0xbc: {  	_ =	sfence  }
0xbd: {  	s30 =	sld [smem:$0x0];
	_ =	sdelay $0x2  }
0xbe: {  	s31 =	sshll.u32 s1, $0xD;
	s1 =	sshrl.u32 s1, $0x2  }
0xbf: {  	s3 =	sand.u32 $0x4000, s31;
	s1 =	sadd.s32 s1, s30  }
0xc0: {  	s0 =	sor.u32 s3, s0;
	s1 =	sshll.u32 s1, $0x11  }
0xc1: {  	s0 =	sor.u32 s1, s0  }
0xc2: {  	s0 =	sadd.s32 $0x8F2B, s0  }
0xc3: {  	[sflag:s0] =	ssyncadd.remote.s32 $0x1  }
0xc4: {  	_ =	sfence.sel $0xFFFF  }
0xc5: {  	[dreg:$0x0] =	wrdreg $0xFFFFFFFF;
	(pc) =	sbr.abs _section_cstart, $3  }
0xc6: {  	[dreg:$0x1] =	wrdreg $0xFFFFFFFF  }
0xc7: {  	_ =	task.clear_ibuf [dreg:s7], $0x2FFFF;
	_ =	strace $0x9FFFFFFF  }
0xc8: {  	(tm) =	ssettm $0x7FFFFFFF  }
0xc9: {  	_ =	shalt  }
tec
execute0_lowered:
.L_overlay_start_1:
0x0: {  	(tag) =	ssettag $0x1  }
0x1: {  	s2 =	rddreg [dreg:$0x0]  }
0x2: {  	s0 =	rddreg [dreg:$0x1]  }
0x3: {  	s3 =	stileid.u32;
	s1 =	srdreg.scid  }
0x4: {  	s19 =	simm.s32 $0x880;
	s20 =	simm.s32 $0x100;
	s22 =	simm.s32 $0x900  }
0x5: {  	s23 =	simm.s32 $0x180;
	s24 =	simm.s32 $0x980;
	s25 =	simm.s32 $0x200  }
0x6: {  	s26 =	simm.s32 $0xA00;
	s7 =	simm.s32 $0x800;
	s31 =	simm.s32 $0x280  }
0x7: {  	s8 =	simm.s32 $0xA80;
	s9 =	simm.s32 $0x300;
	s10 =	simm.s32 $0xB00  }
0x8: {  	s11 =	simm.s32 $0x380;
	s12 =	simm.s32 $0xB80;
	s13 =	simm.s32 $0x400  }
0x9: {  	s14 =	simm.s32 $0xC00;
	s4 =	sshll.u32 s3, $0xE;
	s3 =	simm.s32 $0x0  }
0xa: {  	s15 =	simm.s32 $0x480;
	s16 =	simm.s32 $0xC80;
	[smem:$0x7FF] =	sst s3  }
0xb: {  	s17 =	simm.s32 $0x500;
	_ =	strace $0x8000004A;
	[dreg:$0x5] =	wrdreg s19  }
0xc: {  	s18 =	simm.s32 $0xD00;
	s28 =	simm.s32 $0x780;
	[dreg:$0x6] =	wrdreg s20  }
0xd: {  	s29 =	simm.s32 $0xF80;
	s30 =	simm.s32 $0x1;
	[dreg:$0x7] =	wrdreg s22  }
0xe: {  	s1 =	sand.u32 $0x1, s1;
	s5 =	sadd.s32 s4, s2;
	[dreg:$0x8] =	wrdreg s23  }
0xf: {  	s6 =	sshll.u32 s1, $0xD;
	s0 =	sadd.s32 s4, s0;
	[dreg:$0x9] =	wrdreg s24  }
0x10: {  	s1 =	ssub.s32 $0x2, s1;
	s5 =	sadd.s32 s6, s5;
	[dreg:$0xa] =	wrdreg s25  }
0x11: {  	s0 =	sadd.s32 s6, s0;
	s21 =	sshrl.u32 s1, $0x1;
	[dreg:$0xb] =	wrdreg s26  }
0x12: {  	s6 =	simm.s32 $0x80;
	[dreg:$0xc] =	wrdreg s31;
	s19 =	simm.s32 $0x580  }
0x13: {  	s20 =	simm.s32 $0xD80;
	s22 =	simm.s32 $0xE00;
	s23 =	simm.s32 $0x680  }
0x14: {  	s24 =	simm.s32 $0xE80;
	s25 =	simm.s32 $0x700;
	s26 =	simm.s32 $0xF00  }
0x15: {  	s5 =	sadd.s32 $0x1000000, s5;
	[dreg:$0x4] =	wrdreg s0;
	s1 =	ssub.s32 s1, s21  }
0x16: {  	s21 =	simm.s32 $0x600;
	[dreg:$0x3] =	wrdreg s5;
	s1 =	smax.u32 s1, $0x1  }
0x17: {  	s5 =	simm.s32 $0x2;
	[dreg:$0xd] =	wrdreg s1;
	s1 =	simm.s32 $0x0  }
.LBB2_1:
0x18: {  	s0 =	rddreg [dreg:$0x4]  }
0x19: {  	[dreg:$0xe] =	wrdreg s1;
	s0 =	sadd.s32 $0x0, s0  }
0x1a: {  	[tilespmem:s3], [sflag:$0x2] =	stream.linear.gather [hbm4b:s0+s3], $0x800, $0x38;
	[tilespmem:$0x1000] =	vst v63  }
0x1b: {  	_ =	swait.ge [sflag:s5], $0x800  }
0x1c: {  	s0 =	rddreg [dreg:$0x6]  }
0x1d: {  	[sflag:s5] =	ssyncset.done $0x0;
	s1 =	rddreg [dreg:$0x5]  }
0x1e: {  	s4 =	rddreg [dreg:$0x7];
	[sflag:s5] =	ssyncadd.s32 $0xFFFFF800  }
0x1f: {  	[tilespmem:s7], [sflag:$0x1] =	stream.indirect.gather [hbm4b:s2+s6], $0x1, s3, s6, $0xb8;
	[tilespmem:$0x1000] =	vst v63  }
0x20: {  	s31 =	rddreg [dreg:$0x9]  }
0x21: {  	[tilespmem:s1], [sflag:$0x1] =	stream.indirect.gather [hbm4b:s2+s6], $0x1, s6, s6, $0xb8;
	[tilespmem:$0x1000] =	vst v63  }
0x22: {  	s1 =	rddreg [dreg:$0x8]  }
0x23: {  	[tilespmem:s4], [sflag:$0x1] =	stream.indirect.gather [hbm4b:s2+s6], $0x1, s0, s6, $0xb8;
	[tilespmem:$0x1000] =	vst v63  }
0x24: {  	s0 =	rddreg [dreg:$0xb]  }
0x25: {  	[tilespmem:s31], [sflag:$0x1] =	stream.indirect.gather [hbm4b:s2+s6], $0x1, s1, s6, $0xb8;
	[tilespmem:$0x1000] =	vst v63  }
0x26: {  	s4 =	rddreg [dreg:$0xa]  }
0x27: {  	[tilespmem:s0], [sflag:$0x1] =	stream.indirect.gather [hbm4b:s2+s6], $0x1, s4, s6, $0xb8;
	[tilespmem:$0x1000] =	vst v63  }
0x28: {  	s31 =	rddreg [dreg:$0xc]  }
0x29: {  	[tilespmem:s8], [sflag:$0x1] =	stream.indirect.gather [hbm4b:s2+s6], $0x1, s31, s6, $0xb8;
	[tilespmem:$0x1000] =	vst v63  }
0x2a: {  	_ = 	snop  }
0x2b: {  	[tilespmem:s10], [sflag:$0x1] =	stream.indirect.gather [hbm4b:s2+s6], $0x1, s9, s6, $0xb8;
	[tilespmem:$0x1000] =	vst v63  }
0x2c: {  	_ = 	snop  }
0x2d: {  	[tilespmem:s12], [sflag:$0x1] =	stream.indirect.gather [hbm4b:s2+s6], $0x1, s11, s6, $0xb8;
	[tilespmem:$0x1000] =	vst v63  }
0x2e: {  	_ = 	snop  }
0x2f: {  	[tilespmem:s14], [sflag:$0x1] =	stream.indirect.gather [hbm4b:s2+s6], $0x1, s13, s6, $0xb8;
	[tilespmem:$0x1000] =	vst v63  }
0x30: {  	_ = 	snop  }
0x31: {  	[tilespmem:s16], [sflag:$0x1] =	stream.indirect.gather [hbm4b:s2+s6], $0x1, s15, s6, $0xb8;
	[tilespmem:$0x1000] =	vst v63  }
0x32: {  	_ = 	snop  }
0x33: {  	[tilespmem:s18], [sflag:$0x1] =	stream.indirect.gather [hbm4b:s2+s6], $0x1, s17, s6, $0xb8;
	[tilespmem:$0x1000] =	vst v63  }
0x34: {  	_ = 	snop  }
0x35: {  	[tilespmem:s20], [sflag:$0x1] =	stream.indirect.gather [hbm4b:s2+s6], $0x1, s19, s6, $0xb8;
	[tilespmem:$0x1000] =	vst v63  }
0x36: {  	_ = 	snop  }
0x37: {  	[tilespmem:s22], [sflag:$0x1] =	stream.indirect.gather [hbm4b:s2+s6], $0x1, s21, s6, $0xb8;
	[tilespmem:$0x1000] =	vst v63  }
0x38: {  	_ = 	snop  }
0x39: {  	[tilespmem:s24], [sflag:$0x1] =	stream.indirect.gather [hbm4b:s2+s6], $0x1, s23, s6, $0xb8;
	[tilespmem:$0x1000] =	vst v63  }
0x3a: {  	_ = 	snop  }
0x3b: {  	[tilespmem:s26], [sflag:$0x1] =	stream.indirect.gather [hbm4b:s2+s6], $0x1, s25, s6, $0xb8;
	[tilespmem:$0x1000] =	vst v63  }
0x3c: {  	_ = 	snop  }
0x3d: {  	[tilespmem:s29], [sflag:$0x1] =	stream.indirect.gather [hbm4b:s2+s6], $0x1, s28, s6, $0xb8;
	[tilespmem:$0x1000] =	vst v63  }
0x3e: {  	_ =	swait.ge [sflag:s30], $0x80  }
0x3f: {  	[sflag:s30] =	ssyncset.done $0x0  }
0x40: {  	[sflag:s30] =	ssyncadd.s32 $0xFFFFFF80  }
0x41: {  	_ =	swait.ge [sflag:s30], $0x80  }
0x42: {  	[sflag:s30] =	ssyncset.done $0x0  }
0x43: {  	[sflag:s30] =	ssyncadd.s32 $0xFFFFFF80  }
0x44: {  	_ =	swait.ge [sflag:s30], $0x80  }
0x45: {  	[sflag:s30] =	ssyncset.done $0x0  }
0x46: {  	[sflag:s30] =	ssyncadd.s32 $0xFFFFFF80  }
0x47: {  	_ =	swait.ge [sflag:s30], $0x80  }
0x48: {  	[sflag:s30] =	ssyncset.done $0x0  }
0x49: {  	[sflag:s30] =	ssyncadd.s32 $0xFFFFFF80  }
0x4a: {  	_ =	swait.ge [sflag:s30], $0x80  }
0x4b: {  	[sflag:s30] =	ssyncset.done $0x0  }
0x4c: {  	[sflag:s30] =	ssyncadd.s32 $0xFFFFFF80  }
0x4d: {  	_ =	swait.ge [sflag:s30], $0x80  }
0x4e: {  	[sflag:s30] =	ssyncset.done $0x0  }
0x4f: {  	[sflag:s30] =	ssyncadd.s32 $0xFFFFFF80  }
0x50: {  	_ =	swait.ge [sflag:s30], $0x80  }
0x51: {  	[sflag:s30] =	ssyncset.done $0x0  }
0x52: {  	[sflag:s30] =	ssyncadd.s32 $0xFFFFFF80  }
0x53: {  	_ =	swait.ge [sflag:s30], $0x80  }
0x54: {  	[sflag:s30] =	ssyncset.done $0x0  }
0x55: {  	[sflag:s30] =	ssyncadd.s32 $0xFFFFFF80  }
0x56: {  	_ =	swait.ge [sflag:s30], $0x80  }
0x57: {  	[sflag:s30] =	ssyncset.done $0x0  }
0x58: {  	[sflag:s30] =	ssyncadd.s32 $0xFFFFFF80  }
0x59: {  	_ =	swait.ge [sflag:s30], $0x80  }
0x5a: {  	[sflag:s30] =	ssyncset.done $0x0  }
0x5b: {  	[sflag:s30] =	ssyncadd.s32 $0xFFFFFF80  }
0x5c: {  	_ =	swait.ge [sflag:s30], $0x80  }
0x5d: {  	[sflag:s30] =	ssyncset.done $0x0  }
0x5e: {  	[sflag:s30] =	ssyncadd.s32 $0xFFFFFF80  }
0x5f: {  	_ =	swait.ge [sflag:s30], $0x80  }
0x60: {  	[sflag:s30] =	ssyncset.done $0x0  }
0x61: {  	[sflag:s30] =	ssyncadd.s32 $0xFFFFFF80  }
0x62: {  	_ =	swait.ge [sflag:s30], $0x80  }
0x63: {  	[sflag:s30] =	ssyncset.done $0x0  }
0x64: {  	[sflag:s30] =	ssyncadd.s32 $0xFFFFFF80  }
0x65: {  	_ =	swait.ge [sflag:s30], $0x80  }
0x66: {  	[sflag:s30] =	ssyncset.done $0x0  }
0x67: {  	[sflag:s30] =	ssyncadd.s32 $0xFFFFFF80  }
0x68: {  	_ =	swait.ge [sflag:s30], $0x80  }
0x69: {  	[sflag:s30] =	ssyncset.done $0x0  }
0x6a: {  	[sflag:s30] =	ssyncadd.s32 $0xFFFFFF80  }
0x6b: {  	_ =	swait.ge [sflag:s30], $0x80  }
0x6c: {  	s31 =	rddreg [dreg:$0x3];
	[sflag:s30] =	ssyncset.done $0x0  }
0x6d: {  	s0 =	simm.s32 $0x100;
	[sflag:s30] =	ssyncadd.s32 $0xFFFFFF80;
	s1 =	sadd.s32 $0x0, s31  }
.LBB2_2:
0x6e: {  	[hbm4b:s1+s3] =	stream.linear.scatter [tilespmem:s7], [sflag:$0x2], $0x800, $0x38;
	[tilespmem:$0x1000] =	vst v63  }
0x6f: {  	_ =	swait.ge [sflag:s5], $0x800  }
0x70: {  	s1 =	smov.u32 s0;
	s4 =	rddreg [dreg:$0x4];
	[sflag:s5] =	ssyncset.done $0x0  }
0x71: {  	[sflag:s5] =	ssyncadd.s32 $0xFFFFF800;
	s4 =	sadd.s32 s1, s4  }
0x72: {  	[tilespmem:s3], [sflag:$0x2] =	stream.linear.gather [hbm4b:s4+s3], $0x800, $0x38;
	[tilespmem:$0x1000] =	vst v63  }
0x73: {  	_ =	swait.ge [sflag:s5], $0x800  }
0x74: {  	s4 =	rddreg [dreg:$0xb]  }
0x75: {  	s31 =	rddreg [dreg:$0x6];
	[sflag:s5] =	ssyncset.done $0x0  }
0x76: {  	s8 =	rddreg [dreg:$0x5];
	[sflag:s5] =	ssyncadd.s32 $0xFFFFF800  }
0x77: {  	[tilespmem:s7], [sflag:$0x1] =	stream.indirect.gather [hbm4b:s2+s6], $0x1, s3, s6, $0xb8;
	[tilespmem:$0x1000] =	vst v63  }
0x78: {  	s9 =	rddreg [dreg:$0x7]  }
0x79: {  	[tilespmem:s8], [sflag:$0x1] =	stream.indirect.gather [hbm4b:s2+s6], $0x1, s6, s6, $0xb8;
	[tilespmem:$0x1000] =	vst v63  }
0x7a: {  	s10 =	rddreg [dreg:$0x9]  }
0x7b: {  	[tilespmem:s9], [sflag:$0x1] =	stream.indirect.gather [hbm4b:s2+s6], $0x1, s31, s6, $0xb8;
	[tilespmem:$0x1000] =	vst v63  }
0x7c: {  	s8 =	rddreg [dreg:$0x8]  }
0x7d: {  	[tilespmem:s10], [sflag:$0x1] =	stream.indirect.gather [hbm4b:s2+s6], $0x1, s8, s6, $0xb8;
	[tilespmem:$0x1000] =	vst v63  }
0x7e: {  	s9 =	rddreg [dreg:$0xa]  }
0x7f: {  	[tilespmem:s4], [sflag:$0x1] =	stream.indirect.gather [hbm4b:s2+s6], $0x1, s9, s6, $0xb8;
	[tilespmem:$0x1000] =	vst v63  }
0x80: {  	s11 =	simm.s32 $0xA80;
	s31 =	rddreg [dreg:$0xc]  }
0x81: {  	[tilespmem:s11], [sflag:$0x1] =	stream.indirect.gather [hbm4b:s2+s6], $0x1, s31, s6, $0xb8;
	[tilespmem:$0x1000] =	vst v63  }
0x82: {  	s10 =	simm.s32 $0xB00;
	s9 =	simm.s32 $0x300  }
0x83: {  	[tilespmem:s10], [sflag:$0x1] =	stream.indirect.gather [hbm4b:s2+s6], $0x1, s9, s6, $0xb8;
	[tilespmem:$0x1000] =	vst v63  }
0x84: {  	s11 =	simm.s32 $0x380  }
0x85: {  	[tilespmem:s12], [sflag:$0x1] =	stream.indirect.gather [hbm4b:s2+s6], $0x1, s11, s6, $0xb8;
	[tilespmem:$0x1000] =	vst v63  }
0x86: {  	_ = 	snop  }
0x87: {  	[tilespmem:s14], [sflag:$0x1] =	stream.indirect.gather [hbm4b:s2+s6], $0x1, s13, s6, $0xb8;
	[tilespmem:$0x1000] =	vst v63  }
0x88: {  	_ = 	snop  }
0x89: {  	[tilespmem:s16], [sflag:$0x1] =	stream.indirect.gather [hbm4b:s2+s6], $0x1, s15, s6, $0xb8;
	[tilespmem:$0x1000] =	vst v63  }
0x8a: {  	_ = 	snop  }
0x8b: {  	[tilespmem:s18], [sflag:$0x1] =	stream.indirect.gather [hbm4b:s2+s6], $0x1, s17, s6, $0xb8;
	[tilespmem:$0x1000] =	vst v63  }
0x8c: {  	_ = 	snop  }
0x8d: {  	[tilespmem:s20], [sflag:$0x1] =	stream.indirect.gather [hbm4b:s2+s6], $0x1, s19, s6, $0xb8;
	[tilespmem:$0x1000] =	vst v63  }
0x8e: {  	_ = 	snop  }
0x8f: {  	[tilespmem:s22], [sflag:$0x1] =	stream.indirect.gather [hbm4b:s2+s6], $0x1, s21, s6, $0xb8;
	[tilespmem:$0x1000] =	vst v63  }
0x90: {  	_ = 	snop  }
0x91: {  	[tilespmem:s24], [sflag:$0x1] =	stream.indirect.gather [hbm4b:s2+s6], $0x1, s23, s6, $0xb8;
	[tilespmem:$0x1000] =	vst v63  }
0x92: {  	_ = 	snop  }
0x93: {  	[tilespmem:s26], [sflag:$0x1] =	stream.indirect.gather [hbm4b:s2+s6], $0x1, s25, s6, $0xb8;
	[tilespmem:$0x1000] =	vst v63  }
0x94: {  	_ = 	snop  }
0x95: {  	[tilespmem:s29], [sflag:$0x1] =	stream.indirect.gather [hbm4b:s2+s6], $0x1, s28, s6, $0xb8;
	[tilespmem:$0x1000] =	vst v63  }
0x96: {  	_ =	swait.ge [sflag:s30], $0x80  }
0x97: {  	[sflag:s30] =	ssyncset.done $0x0  }
0x98: {  	[sflag:s30] =	ssyncadd.s32 $0xFFFFFF80  }
0x99: {  	_ =	swait.ge [sflag:s30], $0x80  }
0x9a: {  	[sflag:s30] =	ssyncset.done $0x0  }
0x9b: {  	[sflag:s30] =	ssyncadd.s32 $0xFFFFFF80  }
0x9c: {  	_ =	swait.ge [sflag:s30], $0x80  }
0x9d: {  	[sflag:s30] =	ssyncset.done $0x0  }
0x9e: {  	[sflag:s30] =	ssyncadd.s32 $0xFFFFFF80  }
0x9f: {  	_ =	swait.ge [sflag:s30], $0x80  }
0xa0: {  	[sflag:s30] =	ssyncset.done $0x0  }
0xa1: {  	[sflag:s30] =	ssyncadd.s32 $0xFFFFFF80  }
0xa2: {  	_ =	swait.ge [sflag:s30], $0x80  }
0xa3: {  	[sflag:s30] =	ssyncset.done $0x0  }
0xa4: {  	[sflag:s30] =	ssyncadd.s32 $0xFFFFFF80  }
0xa5: {  	_ =	swait.ge [sflag:s30], $0x80  }
0xa6: {  	[sflag:s30] =	ssyncset.done $0x0  }
0xa7: {  	[sflag:s30] =	ssyncadd.s32 $0xFFFFFF80  }
0xa8: {  	_ =	swait.ge [sflag:s30], $0x80  }
0xa9: {  	[sflag:s30] =	ssyncset.done $0x0  }
0xaa: {  	[sflag:s30] =	ssyncadd.s32 $0xFFFFFF80  }
0xab: {  	_ =	swait.ge [sflag:s30], $0x80  }
0xac: {  	[sflag:s30] =	ssyncset.done $0x0  }
0xad: {  	[sflag:s30] =	ssyncadd.s32 $0xFFFFFF80  }
0xae: {  	_ =	swait.ge [sflag:s30], $0x80  }
0xaf: {  	[sflag:s30] =	ssyncset.done $0x0  }
0xb0: {  	[sflag:s30] =	ssyncadd.s32 $0xFFFFFF80  }
0xb1: {  	_ =	swait.ge [sflag:s30], $0x80  }
0xb2: {  	[sflag:s30] =	ssyncset.done $0x0  }
0xb3: {  	[sflag:s30] =	ssyncadd.s32 $0xFFFFFF80  }
0xb4: {  	_ =	swait.ge [sflag:s30], $0x80  }
0xb5: {  	[sflag:s30] =	ssyncset.done $0x0  }
0xb6: {  	[sflag:s30] =	ssyncadd.s32 $0xFFFFFF80  }
0xb7: {  	_ =	swait.ge [sflag:s30], $0x80  }
0xb8: {  	[sflag:s30] =	ssyncset.done $0x0  }
0xb9: {  	[sflag:s30] =	ssyncadd.s32 $0xFFFFFF80  }
0xba: {  	_ =	swait.ge [sflag:s30], $0x80  }
0xbb: {  	[sflag:s30] =	ssyncset.done $0x0  }
0xbc: {  	[sflag:s30] =	ssyncadd.s32 $0xFFFFFF80  }
0xbd: {  	_ =	swait.ge [sflag:s30], $0x80  }
0xbe: {  	[sflag:s30] =	ssyncset.done $0x0  }
0xbf: {  	[sflag:s30] =	ssyncadd.s32 $0xFFFFFF80  }
0xc0: {  	p0 =	sne.s32 s0, $0x1F00;
	_ =	swait.ge [sflag:s30], $0x80  }
.Ltmp0:
0xc1: {  	[sflag:s30] =	ssyncset.done $0x0;
	(pc) =	sbr.rel @p0 .LBB2_2-.Ltmp0, $4  }
0xc2: {  	[sflag:s30] =	ssyncadd.s32 $0xFFFFFF80  }
0xc3: {  	_ =	swait.ge [sflag:s30], $0x80  }
0xc4: {  	s0 =	sadd.s32 $0x100, s0;
	s31 =	rddreg [dreg:$0x3];
	[sflag:s30] =	ssyncset.done $0x0  }
0xc5: {  	s8 =	simm.s32 $0xA80;
	[sflag:s30] =	ssyncadd.s32 $0xFFFFFF80;
	s1 =	sadd.s32 s1, s31  }
0xc6: {  	[hbm4b:s1+s3] =	stream.linear.scatter [tilespmem:s7], [sflag:$0x2], $0x800, $0x38;
	[tilespmem:$0x1000] =	vst v63  }
0xc7: {  	_ =	swait.ge [sflag:s5], $0x800  }
0xc8: {  	s31 =	rddreg [dreg:$0xe]  }
0xc9: {  	s0 =	rddreg [dreg:$0xd];
	s1 =	sadd.s32 $0x1, s31  }
0xca: {  	p0 =	sne.s32 s1, s0  }
.Ltmp1:
0xcb: {  	_ = 	snop;
	(pc) =	sbr.rel @p0 .LBB2_1-.Ltmp1, $3  }
0xcc: {  	_ =	sdelay $0x1  }
0xcd: {  	[sflag:s5] =	ssyncset.done $0x0  }
0xce: {  	[sflag:s5] =	ssyncadd.s32 $0xFFFFF800  }
0xcf: {  	_ =	sfence.sel $0x180000  }
0xd0: {  	[bflag:$0x0] =	sbarrier.arrive $0xFFFF  }
0xd1: {  	_ =	strace $0x9000004A  }
0xd2: {  	s0 =	stileid.u32;
	[bflag:$0x2] =	sbarrier.arrive $0xFFFF  }
0xd3: {  	p0 =	sne.s32 s0, $0x0;
	s0 =	rddreg [dreg:$0x2]  }
0xd4: {  	s0 =	sadd.s32 @!p0 $0x100000, s0  }
0xd5: {  	[sflag:s0] =	ssyncadd.tile.s32 @!p0 $0x1;
	_ =	shalt  }
.Lfunc_end2:
_tile_overlayer_lowered:
.L_overlay_start_2:
0xd6: {  	(tag) =	ssettag $0x2  }
0xd7: {  	s0 =	rddreg [dreg:$0x0];
	s2 =	stileid.u32  }
0xd8: {  	s1 =	rddreg [dreg:$0x1];
	p0 =	sne.s32 s2, $0x0  }
0xd9: {  	s3 =	rddreg [dreg:$0x2];
	[bflag:$0x3] =	sbarrier.arrive $0xFFFF;
	s2 =	simm.s32 @!p0 $0x1C02  }
0xda: {  	[timem:s3], [sflag:s2] =	dma.local @!p0 [hbm:s0], s1  }
0xdb: {  	s0 =	simm.s32 @!p0 $0x2  }
0xdc: {  	_ =	swait.ge @!p0 [sflag:s0], s1  }
0xdd: {  	s1 =	ssub.s32 @!p0 $0x0, s1;
	[sflag:s0] =	ssyncset.done @!p0 $0x0  }
0xde: {  	[sflag:s0] =	ssyncadd.s32 @!p0 s1  }
0xdf: {  	[bflag:$0x3] =	sbarrier.arrive $0xFFFF  }
0xe0: {  	_ =	shalt  }

// kernel: sparse-core-data-format-call.cloned.1.call-start
scs
called_computation_lowered:
.L_overlay_start_0:
0x0: {  	s2 =	sld [smem:$0x3FD9]  }
0x1: {  	s3 =	sld [smem:$0x3FFE];
	_ =	sdelay $0x1  }
0x2: {  	s1 =	srdreg.scid  }
0x3: {  	s0 =	sand.u32 $0x1, s1  }
0x4: {  	s18 =	sshll.u32 s0, $0xA;
	s2 =	sadd.s32 s3, s2  }
0x5: {  	s2 =	sadd.s32 s2, s18  }
0x6: {  	[smem:$0x3FBF] =	sst s2  }
0x7: {  	_ = 	snop  }
0x8: {  	s2 =	sld [smem:$0x3FC9];
	(tm) =	ssettm $0x1  }
0x9: {  	s19 =	sld [smem:$0x3FFB];
	_ =	sdelay $0x3  }
0xa: {  	_ =	strace s19  }
0xb: {  	s3 =	sld [smem:$0x3FFC];
	_ =	sdelay $0x3  }
0xc: {  	_ =	strace s3  }
0xd: {  	s3 =	sld [smem:$0x3FFD];
	_ =	sdelay $0x3  }
0xe: {  	_ =	strace s3  }
0xf: {  	_ =	strace $0x8FFFFFFF  }
0x10: {  	s20 =	sld [smem:$0x3FDB];
	_ =	sdelay $0x1  }
0x11: {  	s4 =	simm.s32 $_scs_section_size  }
0x12: {  	s5 =	simm.s32 $_size__tile_overlayer_lowered;
	s6 =	simm.s32 $_tile_overlayer_lowered  }
0x13: {  	s23 =	simm.s32 $0x1BFF;
	s22 =	sshll.u32 s6, $0x1;
	s3 =	sadd.s32 s4, s20  }
0x14: {  	s7 =	simm.s32 $0x0;
	s21 =	sshll.u32 s5, $0x1;
	s5 =	sadd.s32 s22, s3  }
0x15: {  	[timem:s7], [sflag:s23] =	dma.local [hbm:s5], s21  }
0x16: {  	_ =	swait.ge [sflag:s23], s21  }
0x17: {  	s4 =	ssub.s32 $0x0, s21;
	[sflag:s23] =	ssyncset.done $0x0  }
0x18: {  	[sflag:s23] =	ssyncadd.s32 s4;
	_ =	sdelay $0x1  }
0x19: {  	s24 =	simm.s32 $0x1B8B  }
0x1a: {  	_ =	swait.ge [sflag:s24], $0x1  }
0x1b: {  	[sflag:s24] =	ssyncset.done $0x0  }
0x1c: {  	s26 =	simm.s32 $0x1B8E;
	s25 =	sld [smem:$0x3FFE];
	[sflag:s24] =	ssyncadd.s32 $0xFFFFFFFF  }
0x1d: {  	s27 =	simm.s32 $execute0_lowered;
	[smem:$0x3FD2] =	sst s26  }
0x1e: {  	s5 =	sshll.u32 s27, $0x1;
	_ =	strace $0x80000046;
	[dreg:$0x1] =	wrdreg $0xFFFFFFFF  }
0x1f: {  	s28 =	simm.s32 $_size_execute0_lowered;
	s3 =	sadd.s32 s3, s5;
	[dreg:$0x0] =	wrdreg $0x0  }
0x20: {  	s5 =	sshll.u32 s28, $0x1;
	[dreg:$0x2] =	wrdreg s3  }
0x21: {  	[dreg:$0x3] =	wrdreg s5  }
0x22: {  	[dreg:$0x4] =	wrdreg $0xC0  }
0x23: {  	_ =	task [dreg:s7], $0x5FFFF  }
0x24: {  	[dreg:$0x1] =	wrdreg $0xFFFFFFFF  }
0x25: {  	[dreg:$0x0] =	wrdreg $0x60  }
0x26: {  	[dreg:$0x2] =	wrdreg s2  }
0x27: {  	[dreg:$0x3] =	wrdreg s25  }
0x28: {  	[dreg:$0x4] =	wrdreg $0x9  }
0x29: {  	_ =	task.clear_ibuf [dreg:s7], $0x5FFFF;
	_ =	strace $0x90000046  }
0x2a: {  	s29 =	simm.s32 $0x9;
	_ =	strace $0x80000048  }
0x2b: {  	_ =	swait.ge [sflag:s29], $0x1  }
0x2c: {  	[sflag:s29] =	ssyncadd.s32 $0xFFFFFFFF  }
0x2d: {  	_ =	strace $0x90000048  }
0x2e: {  	_ =	sfence  }
0x2f: {  	s30 =	sld [smem:$0x0];
	_ =	sdelay $0x2  }
0x30: {  	s31 =	sshll.u32 s1, $0xD;
	s1 =	sshrl.u32 s1, $0x2  }
0x31: {  	s3 =	sand.u32 $0x4000, s31;
	s1 =	sadd.s32 s1, s30  }
0x32: {  	s0 =	sor.u32 s3, s0;
	s1 =	sshll.u32 s1, $0x11  }
0x33: {  	s0 =	sor.u32 s1, s0  }
0x34: {  	s0 =	sadd.s32 $0x8F2B, s0  }
0x35: {  	[sflag:s0] =	ssyncadd.remote.s32 $0x1  }
0x36: {  	_ =	sfence.sel $0xFFFF  }
0x37: {  	[dreg:$0x0] =	wrdreg $0xFFFFFFFF;
	(pc) =	sbr.abs _section_cstart, $3  }
0x38: {  	[dreg:$0x1] =	wrdreg $0xFFFFFFFF  }
0x39: {  	_ =	task.clear_ibuf [dreg:s7], $0x2FFFF;
	_ =	strace $0x9FFFFFFF  }
0x3a: {  	(tm) =	ssettm $0x7FFFFFFF  }
0x3b: {  	_ =	shalt  }
tec
execute0_lowered:
.L_overlay_start_1:
0x0: {  	(tag) =	ssettag $0x1  }
0x1: {  	s2 =	rddreg [dreg:$0x0]  }
0x2: {  	s3 =	rddreg [dreg:$0x1]  }
0x3: {  	s0 =	rddreg [dreg:$0x2];
	_ =	strace $0x80000047  }
0x4: {  	s4 =	srdreg.scid;
	s1 =	stileid.u32;
	s6 =	simm.s32 $0x2  }
.Ltmp0:
0x5: {  	s11 =	simm.s32 $0x0;
	p0 =	por $0x0, $0x0;
	(pc) =	sbr.rel .LBB1_1-.Ltmp0, $4  }
0x6: {  	s7 =	simm.s32 $0x4000;
	s12 =	simm.s32 $0x0;
	s5 =	sshll.u32 s4, $0x4  }
0x7: {  	s9 =	simm.s32 $0x0;
	s4 =	simm.s32 $0x1;
	s5 =	sand.u32 $0x10, s5  }
0x8: {  	s8 =	simm.s32 $0x0;
	[sflag:s4] =	ssyncpa.u1 $0x0;
	s5 =	sor.u32 s1, s5  }
0x9: {  	[sflag:s6] =	ssyncpa.u1 $0x0;
	s6 =	simm.s32 $0x800;
	s10 =	smov.u32 s5  }
.LBB1_7:
0xa: {  	s13 =	sadd.s32 $0x10, s9  }
0xb: {  	s11 =	sadd.s32 $0x20, s10;
	s15 =	smov.u32 s10;
	p2 =	sgt.s32 s13, $0x7F  }
0xc: {  	p1 =	slt.u32 s8, $0x2;
	s15 =	smov.u32 @p2 s11  }
0xd: {  	s8 =	sadd.s32 $0x1, s8;
	s13 =	simm.s32 @p2 $0x0;
	p2 =	sgt.s32 s15, $0x3FF  }
0xe: {  	s15 =	smov.u32 @p2 s5;
	p2 =	sne.s32 s8, $0x102  }
.Ltmp1:
0xf: {  	_ = 	snop;
	(pc) =	sbr.rel @!p2 .LBB1_8-.Ltmp1, $4  }
0x10: {  	s14 =	simm.s32 @!p1 $0x2  }
0x11: {  	s12 =	smov.u32 s10;
	_ =	swait.ge @!p1 [sflag:s14], $0x4000  }
0x12: {  	p0 =	por !p0, !p0;
	s11 =	smov.u32 s9;
	[sflag:s14] =	ssyncset.done @!p1 $0x0  }
0x13: {  	s9 =	smov.u32 s13;
	[sflag:s14] =	ssyncadd.s32 @!p1 $0xFFFFC000;
	s10 =	smov.u32 s15  }
.LBB1_1:
0x14: {  	p1 =	sgt.u32 s8, $0xFF  }
0x15: {  	s13 =	sxor.u32 @!p1 $0xFFFFFFFF, s8;
	s14 =	sshll.u32 @!p1 s10, $0xE  }
0x16: {  	s15 =	sshll.u32 @!p1 s9, $0x7;
	s13 =	sshll.u32 @!p1 s13, $0xE;
	s14 =	sadd.s32 @!p1 s2, s14  }
0x17: {  	s13 =	sand.u32 @!p1 $0x4000, s13;
	s14 =	sadd.s32 @!p1 s15, s14;
	s15 =	simm.s32 @!p1 $0x0  }
0x18: {  	[tilespmem:s13], [sflag:$0x1] =	stream.linear.gather @!p1 [hbm4b:s14+s15], $0x4000, $0x38;
	[tilespmem:$0x10000] =	vst v63  }
0x19: {  	p1 =	seq.s32 s8, $0x0  }
0x1a: {  	p2 =	seq.s32 @!p1 s8, $0x101  }
0x1b: {  	p1 =	por p1, p2  }
.Ltmp2:
0x1c: {  	_ = 	snop;
	(pc) =	sbr.rel @p1 .LBB1_7-.Ltmp2, $1  }
0x1d: {  	_ =	sdelay $0x3  }
0x1e: {  	s13 =	simm.s32 $0x1;
	_ =	swait.ge [sflag:s4], $0x4000;
	s16 =	sshll.u32 s8, $0xE  }
0x1f: {  	s13 =	simm.s32 @!p0 $0x0;
	[sflag:s4] =	ssyncset.done $0x0;
	s31 =	sand.u32 $0x4000, s16  }
0x20: {  	s16 =	simm.s32 $0x0;
	s14 =	sshll.u32 s13, $0xE;
	[sflag:s4] =	ssyncadd.s32 $0xFFFFC000  }
0x21: {  	s13 =	sor.u32 $0x8040, s14;
	s15 =	sor.u32 $0x40, s14;
	s14 =	sor.u32 $0x8000, s31  }
.LBB1_3:
0x22: {  	v0 =	vmov s15;
	_ =	sdelay $0x3  }
0x23: {  	s18 =	simm.s32 $0x0  }
0x24: {  	v6 =	vld.idx.msk [tilespmem:v0+s18+$0x30 ss:$0x1], $0xffff  }
0x25: {  	v7 =	vld.idx.msk [tilespmem:v0+s18+$0xFFFFFFC0 ss:$0x1], $0xffff  }
0x26: {  	v5 =	vld.idx.msk [tilespmem:v0+s18+$0xFFFFFFD0 ss:$0x1], $0xffff  }
0x27: {  	v4 =	vld.idx.msk [tilespmem:v0+s18+$0xFFFFFFE0 ss:$0x1], $0xffff  }
0x28: {  	v3 =	vld.idx.msk [tilespmem:v0+s18+$0xFFFFFFF0 ss:$0x1], $0xffff  }
0x29: {  	v1 =	vld.idx.msk [tilespmem:v0+s18+$0x0 ss:$0x1], $0xffff  }
0x2a: {  	v2 =	vld.idx.msk [tilespmem:v0+s18+$0x10 ss:$0x1], $0xffff;
	[tilespmem:s13+$0x30] =	vst v6  }
0x2b: {  	s17 =	simm.s32 $0x80;
	s19 =	simm.s32 $0x400;
	[tilespmem:s13+$0xFFFFFFC0] =	vst v7;
	v6 =	vld.idx.msk [tilespmem:v0+s18+$0x20 ss:$0x1], $0xffff;
	s18 =	smov.u32 s13  }
.LBB1_4:
0x2c: {  	p1 =	sne.s32 s19, $0xE00;
	v7 =	vld.idx.msk [tilespmem:v0+s17+$0x30 ss:$0x1], $0xffff;
	[tilespmem:s18+$0xFFFFFFD0] =	vst v5  }
0x2d: {  	v8 =	vld.idx.msk [tilespmem:v0+s17+$0xFFFFFFC0 ss:$0x1], $0xffff;
	[tilespmem:s18+$0xFFFFFFE0] =	vst v4  }
0x2e: {  	v5 =	vld.idx.msk [tilespmem:v0+s17+$0xFFFFFFD0 ss:$0x1], $0xffff;
	[tilespmem:s18+$0xFFFFFFF0] =	vst v3  }
.Ltmp3:
0x2f: {  	v4 =	vld.idx.msk [tilespmem:v0+s17+$0xFFFFFFE0 ss:$0x1], $0xffff;
	[tilespmem:s18+$0x0] =	vst v1;
	(pc) =	sbr.rel @p1 .LBB1_4-.Ltmp3, $4  }
0x30: {  	v3 =	vld.idx.msk [tilespmem:v0+s17+$0xFFFFFFF0 ss:$0x1], $0xffff;
	[tilespmem:s18+$0x10] =	vst v2  }
0x31: {  	v1 =	vld.idx.msk [tilespmem:v0+s17+$0x0 ss:$0x1], $0xffff;
	[tilespmem:s18+$0x20] =	vst v6;
	s18 =	sadd.s32 $0x800, s18  }
0x32: {  	v2 =	vld.idx.msk [tilespmem:v0+s17+$0x10 ss:$0x1], $0xffff;
	[tilespmem:s18+$0x30] =	vst v7  }
0x33: {  	[tilespmem:s18+$0xFFFFFFC0] =	vst v8;
	v6 =	vld.idx.msk [tilespmem:v0+s17+$0x20 ss:$0x1], $0xffff;
	s17 =	sshra.s32 s19, $0x2;
	s19 =	sadd.s32 $0x200, s19  }
0x34: {  	_ =	sdelay $0x2  }
0x35: {  	[tilespmem:s18+$0xFFFFFFD0] =	vst v5  }
0x36: {  	v56 =	vld.idx.msk [tilespmem:v0+s17+$0x30 ss:$0x1], $0xffff;
	[tilespmem:s18+$0xFFFFFFE0] =	vst v4  }
0x37: {  	v57 =	vld.idx.msk [tilespmem:v0+s17+$0xFFFFFFC0 ss:$0x1], $0xffff;
	[tilespmem:s18+$0xFFFFFFF0] =	vst v3  }
0x38: {  	v58 =	vld.idx.msk [tilespmem:v0+s17+$0xFFFFFFD0 ss:$0x1], $0xffff;
	[tilespmem:s18+$0x0] =	vst v1  }
0x39: {  	v59 =	vld.idx.msk [tilespmem:v0+s17+$0xFFFFFFE0 ss:$0x1], $0xffff;
	[tilespmem:s18+$0x10] =	vst v2  }
0x3a: {  	v60 =	vld.idx.msk [tilespmem:v0+s17+$0xFFFFFFF0 ss:$0x1], $0xffff;
	s31 =	sadd.s32 $0x800, s18;
	[tilespmem:s18+$0x20] =	vst v6  }
0x3b: {  	v61 =	vld.idx.msk [tilespmem:v0+s17+$0x0 ss:$0x1], $0xffff;
	[tilespmem:s31+$0x30] =	vst v56  }
0x3c: {  	v62 =	vld.idx.msk [tilespmem:v0+s17+$0x10 ss:$0x1], $0xffff;
	s16 =	sadd.s32 $0x1, s16;
	[tilespmem:s31+$0xFFFFFFC0] =	vst v57  }
0x3d: {  	v63 =	vld.idx.msk [tilespmem:v0+s17+$0x20 ss:$0x1], $0xffff;
	p1 =	sne.s32 s16, $0x10;
	[tilespmem:s31+$0xFFFFFFD0] =	vst v58  }
.Ltmp4:
0x3e: {  	[tilespmem:s31+$0xFFFFFFE0] =	vst v59;
	(pc) =	sbr.rel @p1 .LBB1_3-.Ltmp4, $4  }
0x3f: {  	[tilespmem:s31+$0xFFFFFFF0] =	vst v60  }
0x40: {  	[tilespmem:s31+$0x0] =	vst v61  }
0x41: {  	[tilespmem:s31+$0x10] =	vst v62  }
0x42: {  	s13 =	sadd.s32 $0x80, s13;
	s15 =	sadd.s32 $0x400, s15;
	[tilespmem:s31+$0x20] =	vst v63  }
.Ltmp5:
0x43: {  	(pc) =	sbr.rel .LBB1_7-.Ltmp5, $4  }
0x44: {  	s12 =	sshll.u32 s12, $0xE;
	s11 =	sshll.u32 s11, $0x4  }
0x45: {  	s11 =	sand.u32 $0x7F0, s11;
	s12 =	sadd.s32 s3, s12  }
0x46: {  	s11 =	sadd.s32 s11, s12  }
0x47: {  	[hbm4b:s11+s6] =	stream.strided.scatter [tilespmem:s14], [sflag:$0x2], $0x4000, s7, s6, $0x38;
	[tilespmem:$0x10000] =	vst v63  }
.LBB1_8:
0x48: {  	_ =	sfence.sel $0x180000  }
0x49: {  	s2 =	simm.s32 $0x1;
	[bflag:$0x0] =	sbarrier.arrive $0xFFFF  }
0x4a: {  	s31 =	simm.s32 $0x2;
	[sflag:s2] =	ssyncpa.u1 $0x1  }
0x4b: {  	[sflag:s31] =	ssyncpa.u1 $0x1  }
0x4c: {  	p0 =	sne.s32 s1, $0x0;
	_ =	strace $0x90000047  }
0x4d: {  	s0 =	sadd.s32 @!p0 $0x100000, s0;
	[bflag:$0x2] =	sbarrier.arrive $0xFFFF  }
0x4e: {  	[sflag:s0] =	ssyncadd.tile.s32 @!p0 $0x1;
	_ =	shalt  }
.Lfunc_end1:
_tile_overlayer_lowered:
.L_overlay_start_2:
0x4f: {  	(tag) =	ssettag $0x2  }
0x50: {  	s0 =	rddreg [dreg:$0x0];
	s2 =	stileid.u32  }
0x51: {  	s1 =	rddreg [dreg:$0x1];
	p0 =	sne.s32 s2, $0x0  }
0x52: {  	s3 =	rddreg [dreg:$0x2];
	[bflag:$0x3] =	sbarrier.arrive $0xFFFF;
	s2 =	simm.s32 @!p0 $0x1C01  }
0x53: {  	[timem:s3], [sflag:s2] =	dma.local @!p0 [hbm:s0], s1  }
0x54: {  	s0 =	simm.s32 @!p0 $0x1  }
0x55: {  	_ =	swait.ge @!p0 [sflag:s0], s1  }
0x56: {  	s1 =	ssub.s32 @!p0 $0x0, s1;
	[sflag:s0] =	ssyncset.done @!p0 $0x0  }
0x57: {  	[sflag:s0] =	ssyncadd.s32 @!p0 s1  }
0x58: {  	[bflag:$0x3] =	sbarrier.arrive $0xFFFF  }
0x59: {  	_ =	shalt  }

</sc_bundles>
